<compile_context>
chip_gen: v7x
topology: tpu7x:2x2x1
jax: 0.10.2.dev20260603
libtpu: 0.0.44.dev20260713+nightly
codegen_flags: <defaults>
</compile_context>

<pallas_src>
import functools

import jax
import jax.numpy as jnp
from jax import lax
from jax.experimental import pallas as pl
from jax.experimental.pallas import tpu as pltpu
from jax.experimental.pallas import tpu_sc as plsc

NC = 2
NS = 16
NW = NC * NS

BATCH = 4096
SEQ = 200
DIM = 64

NPT = BATCH // NW
CHUNKS = (104, 96)
OFFS = (0, 104)
LANES = 16
NACC = DIM // (2 * LANES)

_mesh = plsc.VectorSubcoreMesh(core_axis_name="c", subcore_axis_name="s")




@functools.partial(
    pl.kernel,
    out_type=jax.ShapeDtypeStruct((BATCH * DIM,), jnp.float32),
    mesh=_mesh,
    compiler_params=pltpu.CompilerParams(use_tc_tiling_on_sc=False,
                                         needs_layout_passes=False),
    scratch_types=[
        pltpu.VMEM((NPT * SEQ,), jnp.int32),
        pltpu.VMEM((SEQ, DIM), jnp.bfloat16),
        pltpu.VMEM((SEQ, DIM), jnp.bfloat16),
        pltpu.VMEM((NPT + LANES,), jnp.int32),
        pltpu.VMEM((NPT * DIM,), jnp.float32),
        pltpu.SemaphoreType.DMA,
        pltpu.SemaphoreType.DMA,
    ],
)
def _bow_pool(table_hbm, tgt_hbm, len_hbm, out_hbm,
              idx_v, rows0, rows1, len_v, out_v, sem0, sem1):
    wid = lax.axis_index("s") * NC + lax.axis_index("c")
    base = wid * NPT

    pltpu.sync_copy(tgt_hbm.at[pl.ds(base * SEQ, NPT * SEQ)], idx_v)
    pltpu.sync_copy(len_hbm.at[pl.ds(base, NPT)], len_v.at[pl.ds(0, NPT)])

    def gather(elem, rows_ref, sem, j):
        return pltpu.make_async_copy(
            table_hbm.at[idx_v.at[pl.ds(elem * SEQ + OFFS[j], CHUNKS[j])]],
            rows_ref.at[pl.ds(OFFS[j], CHUNKS[j])], sem)

    def issue(elem, rows_ref, sem):
        for j in range(2):
            gather(elem, rows_ref, sem, j).start()

    def wait(elem, rows_ref, sem):
        for j in range(2):
            gather(elem, rows_ref, sem, j).wait()

    def compute(elem, rows_ref):
        BLK = 8

        def blk(bi, accs):
            r0 = bi * BLK
            p = [rows_ref[r0, pl.ds(c * 2 * LANES, 2 * LANES)]
                 for c in range(NACC)]
            for k in range(1, BLK):
                for c in range(NACC):
                    p[c] = p[c] + rows_ref[r0 + k,
                                           pl.ds(c * 2 * LANES, 2 * LANES)]
            out = []
            for c in range(NACC):
                ev, od = plsc.unpack(p[c],
                                     format=plsc.PackFormat.INTERLEAVED)
                out.extend((accs[2 * c] + ev, accs[2 * c + 1] + od))
            return tuple(out)

        zeros = tuple(jnp.zeros((LANES,), jnp.float32) for _ in range(2 * NACC))
        accs = lax.fori_loop(0, SEQ // BLK, blk, zeros, unroll=2)
        lvv = len_v[pl.ds(elem, LANES)].astype(jnp.float32)
        inv = jnp.full((LANES,), 1.0, jnp.float32) / lvv
        scale = inv[0]
        row_base = elem * DIM
        lane2 = 2 * lax.iota(jnp.int32, LANES)
        for c in range(NACC):
            plsc.store_scatter(out_v, [row_base + lane2 + 2 * c * LANES],
                               accs[2 * c] * scale)
            plsc.store_scatter(out_v, [row_base + lane2 + 2 * c * LANES + 1],
                               accs[2 * c + 1] * scale)

    issue(0, rows0, sem0)
    issue(1, rows1, sem1)

    def body(k, _):
        i = 2 * k
        wait(i, rows0, sem0)
        compute(i, rows0)
        issue(i + 2, rows0, sem0)
        wait(i + 1, rows1, sem1)
        compute(i + 1, rows1)
        issue(i + 3, rows1, sem1)
        return _

    lax.fori_loop(0, NPT // 2 - 1, body, None)

    wait(NPT - 2, rows0, sem0)
    compute(NPT - 2, rows0)
    wait(NPT - 1, rows1, sem1)
    compute(NPT - 1, rows1)

    pltpu.sync_copy(out_v, out_hbm.at[pl.ds(base * DIM, NPT * DIM)])


def kernel(embed_table, target, target_length):
    out = _bow_pool(embed_table.astype(jnp.bfloat16),
                    target.astype(jnp.int32).reshape(BATCH * SEQ),
                    target_length.astype(jnp.int32))
    return out.reshape(BATCH, DIM)

# --- scband reference (transcript-rebuilt; emitter-appended) ---
"""Pipeline reference for scband-simple-sent-encoder-53738630808234 (READ-ONLY COPY).

The authoritative reference and input builder live on the scoring server;
editing this copy changes nothing except your own understanding.
"""

import jax, jax.numpy as jnp
import numpy as np

VOCAB = 100000
DIM = 64
BATCH = 4096
SEQ = 200


def setup_inputs(seed: int = 0) -> dict:
    key = jax.random.key(seed)
    k1, k2, k3 = jax.random.split(key, 3)
    target = jax.random.randint(k1, (BATCH, SEQ), 0, VOCAB)
    # lengths in [1, SEQ] to avoid division by zero (torch code divides by length)
    target_length = jax.random.randint(k2, (BATCH,), 1, SEQ + 1)
    embed_table = jax.random.normal(k3, (VOCAB, DIM), dtype=jnp.float32) * 0.02
    return {"embed_table": embed_table, "target": target, "target_length": target_length}


def reference(embed_table, target, target_length):
    # encoder_type == 'bow' path of SimpleSentEncoder.forward
    target_emb = jnp.take(embed_table, target, axis=0)            # [B, L, D] gather
    vs = target_emb.sum(axis=1) / target_length[:, None].astype(jnp.float32)
    return vs

if __name__ == "__main__":
    import jax
    _d = setup_inputs()
    print(jax.jit(kernel)(*tuple(_d.values())))

</pallas_src>

<mosaic_0001>
#map = affine_map<(d0, d1) -> (0, 0)>
#map1 = affine_map<(d0, d1) -> (0)>
module attributes {stable_mosaic.version = 14 : i64} {
  func.func @_bow_pool(%arg0: i32, %arg1: i32, %arg2: memref<100000x64xbf16, #tpu.memory_space<hbm>>, %arg3: memref<819200xi32, #tpu.memory_space<hbm>>, %arg4: memref<4096xi32, #tpu.memory_space<hbm>>, %arg5: memref<262144xf32, #tpu.memory_space<hbm>>, %arg6: memref<25600xi32, #tpu.memory_space<vmem>>, %arg7: memref<200x64xbf16, #tpu.memory_space<vmem>>, %arg8: memref<200x64xbf16, #tpu.memory_space<vmem>>, %arg9: memref<144xi32, #tpu.memory_space<vmem>>, %arg10: memref<8192xf32, #tpu.memory_space<vmem>>, %arg11: memref<!tpu.dma_semaphore, #tpu.memory_space<semaphore_mem>>, %arg12: memref<!tpu.dma_semaphore, #tpu.memory_space<semaphore_mem>>) attributes {dimension_semantics = [#tpu.dimension_semantics<core_parallel>, #tpu.dimension_semantics<subcore_parallel>], iteration_bounds = array<i64: 2, 16>, scalar_prefetch = 0 : i64, scratch_operands = 7 : i64, tpu.core_type = #tpu.core_type<sc_vector_subcore>, window_params = [{transform_indices = #map}, {transform_indices = #map1}, {transform_indices = #map1}, {transform_indices = #map1}]} {
    %mul3A = arith.constant 2 : i32
    %mul3A_0 = arith.muli %arg1, %mul3A : i32
    %add3A = arith.addi %mul3A_0, %arg0 : i32
    %mul3A_1 = arith.constant 128 : i32
    %mul3A_2 = arith.muli %add3A, %mul3A_1 : i32
    %mul3A_3 = arith.constant 200 : i32
    %mul3A_4 = arith.muli %mul3A_2, %mul3A_3 : i32
    "tpu.region"() ({
      %run_scoped3A = tpu.sem_alloc : memref<!tpu.dma_semaphore, #tpu.memory_space<semaphore_mem>>
      %dma_start3A_397 = tpu.memref_slice %arg3[%mul3A_4] : memref<819200xi32, #tpu.memory_space<hbm>> -> memref<25600xi32, #tpu.memory_space<hbm>>
      %dma_start3A_398 = tpu.memref_slice %arg3[%mul3A_4] : memref<819200xi32, #tpu.memory_space<hbm>> -> memref<25600xi32, #tpu.memory_space<hbm>>
      tpu.enqueue_dma source(%dma_start3A_398 : memref<25600xi32, #tpu.memory_space<hbm>>) target(%arg6 : memref<25600xi32, #tpu.memory_space<vmem>>) target_semaphore(%run_scoped3A : memref<!tpu.dma_semaphore, #tpu.memory_space<semaphore_mem>>)
      %dma_wait3A_399 = tpu.memref_slice %arg3[%mul3A_4] : memref<819200xi32, #tpu.memory_space<hbm>> -> memref<25600xi32, #tpu.memory_space<hbm>>
      %dma_wait3A_400 = tpu.memref_slice %arg3[%mul3A_4] : memref<819200xi32, #tpu.memory_space<hbm>> -> memref<25600xi32, #tpu.memory_space<hbm>>
      tpu.wait_dma2 semaphore(%run_scoped3A : memref<!tpu.dma_semaphore, #tpu.memory_space<semaphore_mem>>) src(%dma_wait3A_400 : memref<25600xi32, #tpu.memory_space<hbm>>) dst(%arg6 : memref<25600xi32, #tpu.memory_space<vmem>>)
      tpu.yield
    }) : () -> ()
    "tpu.region"() ({
      %run_scoped3A = tpu.sem_alloc : memref<!tpu.dma_semaphore, #tpu.memory_space<semaphore_mem>>
      %dma_start3A_397 = arith.constant 0 : i32
      %dma_start3A_398 = tpu.memref_slice %arg9[%dma_start3A_397] : memref<144xi32, #tpu.memory_space<vmem>> -> memref<128xi32, #tpu.memory_space<vmem>>
      %dma_start3A_399 = tpu.memref_slice %arg4[%mul3A_2] : memref<4096xi32, #tpu.memory_space<hbm>> -> memref<128xi32, #tpu.memory_space<hbm>>
      %dma_start3A_400 = arith.constant 0 : i32
      %dma_start3A_401 = tpu.memref_slice %arg9[%dma_start3A_400] : memref<144xi32, #tpu.memory_space<vmem>> -> memref<128xi32, #tpu.memory_space<vmem>>
      %dma_start3A_402 = tpu.memref_slice %arg4[%mul3A_2] : memref<4096xi32, #tpu.memory_space<hbm>> -> memref<128xi32, #tpu.memory_space<hbm>>
      tpu.enqueue_dma source(%dma_start3A_402 : memref<128xi32, #tpu.memory_space<hbm>>) target(%dma_start3A_401 : memref<128xi32, #tpu.memory_space<vmem>>) target_semaphore(%run_scoped3A : memref<!tpu.dma_semaphore, #tpu.memory_space<semaphore_mem>>)
      %dma_wait3A_403 = arith.constant 0 : i32
      %dma_wait3A_404 = tpu.memref_slice %arg9[%dma_wait3A_403] : memref<144xi32, #tpu.memory_space<vmem>> -> memref<128xi32, #tpu.memory_space<vmem>>
      %dma_wait3A_405 = tpu.memref_slice %arg4[%mul3A_2] : memref<4096xi32, #tpu.memory_space<hbm>> -> memref<128xi32, #tpu.memory_space<hbm>>
      %dma_wait3A_406 = arith.constant 0 : i32
      %dma_wait3A_407 = tpu.memref_slice %arg9[%dma_wait3A_406] : memref<144xi32, #tpu.memory_space<vmem>> -> memref<128xi32, #tpu.memory_space<vmem>>
      %dma_wait3A_408 = tpu.memref_slice %arg4[%mul3A_2] : memref<4096xi32, #tpu.memory_space<hbm>> -> memref<128xi32, #tpu.memory_space<hbm>>
      tpu.wait_dma2 semaphore(%run_scoped3A : memref<!tpu.dma_semaphore, #tpu.memory_space<semaphore_mem>>) src(%dma_wait3A_408 : memref<128xi32, #tpu.memory_space<hbm>>) dst(%dma_wait3A_407 : memref<128xi32, #tpu.memory_space<vmem>>)
      tpu.yield
    }) : () -> ()
    %dma_start3A = arith.constant 0 : i32
    %dma_start3A_5 = arith.constant 0 : i32
    %dma_start3A_6 = tpu.memref_slice %arg7[%dma_start3A, %dma_start3A_5] : memref<200x64xbf16, #tpu.memory_space<vmem>> -> memref<104x64xbf16, #tpu.memory_space<vmem>>
    %dma_start3A_7 = arith.constant 0 : i32
    %dma_start3A_8 = tpu.memref_slice %arg6[%dma_start3A_7] : memref<25600xi32, #tpu.memory_space<vmem>> -> memref<104xi32, #tpu.memory_space<vmem>>
    %dma_start3A_9 = arith.constant 0 : i32
    %dma_start3A_10 = arith.constant 0 : i32
    %dma_start3A_11 = tpu.memref_slice %arg2[%dma_start3A_9, %dma_start3A_10] : memref<100000x64xbf16, #tpu.memory_space<hbm>> -> memref<100000x64xbf16, #tpu.memory_space<hbm>>
    tpu.enqueue_indirect_dma source(%dma_start3A_11 : memref<100000x64xbf16, #tpu.memory_space<hbm>>) target(%dma_start3A_6 : memref<104x64xbf16, #tpu.memory_space<vmem>>) offsets(%dma_start3A_8 : memref<104xi32, #tpu.memory_space<vmem>>) semaphore(%arg11 : memref<!tpu.dma_semaphore, #tpu.memory_space<semaphore_mem>>)
    %dma_start3A_12 = arith.constant 104 : i32
    %dma_start3A_13 = arith.constant 0 : i32
    %dma_start3A_14 = tpu.memref_slice %arg7[%dma_start3A_12, %dma_start3A_13] : memref<200x64xbf16, #tpu.memory_space<vmem>> -> memref<96x64xbf16, #tpu.memory_space<vmem>>
    %dma_start3A_15 = arith.constant 104 : i32
    %dma_start3A_16 = tpu.memref_slice %arg6[%dma_start3A_15] : memref<25600xi32, #tpu.memory_space<vmem>> -> memref<96xi32, #tpu.memory_space<vmem>>
    %dma_start3A_17 = arith.constant 0 : i32
    %dma_start3A_18 = arith.constant 0 : i32
    %dma_start3A_19 = tpu.memref_slice %arg2[%dma_start3A_17, %dma_start3A_18] : memref<100000x64xbf16, #tpu.memory_space<hbm>> -> memref<100000x64xbf16, #tpu.memory_space<hbm>>
    tpu.enqueue_indirect_dma source(%dma_start3A_19 : memref<100000x64xbf16, #tpu.memory_space<hbm>>) target(%dma_start3A_14 : memref<96x64xbf16, #tpu.memory_space<vmem>>) offsets(%dma_start3A_16 : memref<96xi32, #tpu.memory_space<vmem>>) semaphore(%arg11 : memref<!tpu.dma_semaphore, #tpu.memory_space<semaphore_mem>>)
    %dma_start3A_20 = arith.constant 0 : i32
    %dma_start3A_21 = arith.constant 0 : i32
    %dma_start3A_22 = tpu.memref_slice %arg8[%dma_start3A_20, %dma_start3A_21] : memref<200x64xbf16, #tpu.memory_space<vmem>> -> memref<104x64xbf16, #tpu.memory_space<vmem>>
    %dma_start3A_23 = arith.constant 200 : i32
    %dma_start3A_24 = tpu.memref_slice %arg6[%dma_start3A_23] : memref<25600xi32, #tpu.memory_space<vmem>> -> memref<104xi32, #tpu.memory_space<vmem>>
    %dma_start3A_25 = arith.constant 0 : i32
    %dma_start3A_26 = arith.constant 0 : i32
    %dma_start3A_27 = tpu.memref_slice %arg2[%dma_start3A_25, %dma_start3A_26] : memref<100000x64xbf16, #tpu.memory_space<hbm>> -> memref<100000x64xbf16, #tpu.memory_space<hbm>>
    tpu.enqueue_indirect_dma source(%dma_start3A_27 : memref<100000x64xbf16, #tpu.memory_space<hbm>>) target(%dma_start3A_22 : memref<104x64xbf16, #tpu.memory_space<vmem>>) offsets(%dma_start3A_24 : memref<104xi32, #tpu.memory_space<vmem>>) semaphore(%arg12 : memref<!tpu.dma_semaphore, #tpu.memory_space<semaphore_mem>>)
    %dma_start3A_28 = arith.constant 104 : i32
    %dma_start3A_29 = arith.constant 0 : i32
    %dma_start3A_30 = tpu.memref_slice %arg8[%dma_start3A_28, %dma_start3A_29] : memref<200x64xbf16, #tpu.memory_space<vmem>> -> memref<96x64xbf16, #tpu.memory_space<vmem>>
    %dma_start3A_31 = arith.constant 304 : i32
    %dma_start3A_32 = tpu.memref_slice %arg6[%dma_start3A_31] : memref<25600xi32, #tpu.memory_space<vmem>> -> memref<96xi32, #tpu.memory_space<vmem>>
    %dma_start3A_33 = arith.constant 0 : i32
    %dma_start3A_34 = arith.constant 0 : i32
    %dma_start3A_35 = tpu.memref_slice %arg2[%dma_start3A_33, %dma_start3A_34] : memref<100000x64xbf16, #tpu.memory_space<hbm>> -> memref<100000x64xbf16, #tpu.memory_space<hbm>>
    tpu.enqueue_indirect_dma source(%dma_start3A_35 : memref<100000x64xbf16, #tpu.memory_space<hbm>>) target(%dma_start3A_30 : memref<96x64xbf16, #tpu.memory_space<vmem>>) offsets(%dma_start3A_32 : memref<96xi32, #tpu.memory_space<vmem>>) semaphore(%arg12 : memref<!tpu.dma_semaphore, #tpu.memory_space<semaphore_mem>>)
    %scan3A = arith.constant 0 : i32
    %scan3A_36 = arith.constant 63 : i32
    %scan3A_37 = arith.addi %scan3A, %scan3A_36 : i32
    %scan3A_38 = arith.constant 1 : i32
    scf.for %scan3A_397 = %scan3A to %scan3A_37 step %scan3A_38  : i32 {
      %mul3A_398 = arith.constant 2 : i32
      %mul3A_399 = arith.muli %mul3A_398, %scan3A_397 : i32
      %mul3A_400 = arith.constant 200 : i32
      %mul3A_401 = arith.muli %mul3A_399, %mul3A_400 : i32
      %add3A_402 = arith.constant 0 : i32
      %add3A_403 = arith.addi %mul3A_401, %add3A_402 : i32
      %dma_wait3A_404 = arith.constant 0 : i32
      %dma_wait3A_405 = arith.constant 0 : i32
      %dma_wait3A_406 = tpu.memref_slice %arg7[%dma_wait3A_404, %dma_wait3A_405] : memref<200x64xbf16, #tpu.memory_space<vmem>> -> memref<104x64xbf16, #tpu.memory_space<vmem>>
      %dma_wait3A_407 = tpu.memref_slice %arg6[%add3A_403] : memref<25600xi32, #tpu.memory_space<vmem>> -> memref<104xi32, #tpu.memory_space<vmem>>
      %dma_wait3A_408 = arith.constant 0 : i32
      %dma_wait3A_409 = arith.constant 0 : i32
      %dma_wait3A_410 = tpu.memref_slice %arg2[%dma_wait3A_408, %dma_wait3A_409] : memref<100000x64xbf16, #tpu.memory_space<hbm>> -> memref<100000x64xbf16, #tpu.memory_space<hbm>>
      tpu.wait_indirect_dma semaphore(%arg11 : memref<!tpu.dma_semaphore, #tpu.memory_space<semaphore_mem>>) src(%dma_wait3A_410 : memref<100000x64xbf16, #tpu.memory_space<hbm>>) dst(%dma_wait3A_406 : memref<104x64xbf16, #tpu.memory_space<vmem>>)
      %mul3A_411 = arith.constant 200 : i32
      %mul3A_412 = arith.muli %mul3A_399, %mul3A_411 : i32
      %add3A_413 = arith.constant 104 : i32
      %add3A_414 = arith.addi %mul3A_412, %add3A_413 : i32
      %dma_wait3A_415 = arith.constant 104 : i32
      %dma_wait3A_416 = arith.constant 0 : i32
      %dma_wait3A_417 = tpu.memref_slice %arg7[%dma_wait3A_415, %dma_wait3A_416] : memref<200x64xbf16, #tpu.memory_space<vmem>> -> memref<96x64xbf16, #tpu.memory_space<vmem>>
      %dma_wait3A_418 = tpu.memref_slice %arg6[%add3A_414] : memref<25600xi32, #tpu.memory_space<vmem>> -> memref<96xi32, #tpu.memory_space<vmem>>
      %dma_wait3A_419 = arith.constant 0 : i32
      %dma_wait3A_420 = arith.constant 0 : i32
      %dma_wait3A_421 = tpu.memref_slice %arg2[%dma_wait3A_419, %dma_wait3A_420] : memref<100000x64xbf16, #tpu.memory_space<hbm>> -> memref<100000x64xbf16, #tpu.memory_space<hbm>>
      tpu.wait_indirect_dma semaphore(%arg11 : memref<!tpu.dma_semaphore, #tpu.memory_space<semaphore_mem>>) src(%dma_wait3A_421 : memref<100000x64xbf16, #tpu.memory_space<hbm>>) dst(%dma_wait3A_417 : memref<96x64xbf16, #tpu.memory_space<vmem>>)
      %broadcast_in_dim3A_422 = arith.constant 0.000000e+00 : f32
      %broadcast_in_dim3A_423 = vector.broadcast %broadcast_in_dim3A_422 : f32 to vector<16xf32>
      %broadcast_in_dim3A_424 = arith.constant 0.000000e+00 : f32
      %broadcast_in_dim3A_425 = vector.broadcast %broadcast_in_dim3A_424 : f32 to vector<16xf32>
      %broadcast_in_dim3A_426 = arith.constant 0.000000e+00 : f32
      %broadcast_in_dim3A_427 = vector.broadcast %broadcast_in_dim3A_426 : f32 to vector<16xf32>
      %broadcast_in_dim3A_428 = arith.constant 0.000000e+00 : f32
      %broadcast_in_dim3A_429 = vector.broadcast %broadcast_in_dim3A_428 : f32 to vector<16xf32>
      %scan3A_430 = arith.constant 0 : i32
      %scan3A_431 = arith.constant 24 : i32
      %scan3A_432 = arith.addi %scan3A_430, %scan3A_431 : i32
      %scan3A_433 = arith.constant 2 : i32
      %scan3A_434:4 = scf.for %scan3A_824 = %scan3A_430 to %scan3A_432 step %scan3A_433 iter_args(%scan3A_825 = %broadcast_in_dim3A_423, %scan3A_826 = %broadcast_in_dim3A_425, %scan3A_827 = %broadcast_in_dim3A_427, %scan3A_828 = %broadcast_in_dim3A_429) -> (vector<16xf32>, vector<16xf32>, vector<16xf32>, vector<16xf32>)  : i32 {
        %mul3A_829 = arith.constant 8 : i32
        %mul3A_830 = arith.muli %scan3A_824, %mul3A_829 : i32
        %get3A_831 = arith.index_cast %mul3A_830 : i32 to index
        %get3A_832 = arith.constant 0 : index
        %get3A_833 = tpu.vector_load %arg7[%get3A_831, %get3A_832] {strides = array<i32>} : memref<200x64xbf16, #tpu.memory_space<vmem>>, vector<32xbf16>,
        %get3A_834 = arith.index_cast %mul3A_830 : i32 to index
        %get3A_835 = arith.constant 32 : index
        %get3A_836 = tpu.vector_load %arg7[%get3A_834, %get3A_835] {strides = array<i32>} : memref<200x64xbf16, #tpu.memory_space<vmem>>, vector<32xbf16>,
        %add3A_837 = arith.constant 1 : i32
        %add3A_838 = arith.addi %mul3A_830, %add3A_837 : i32
        %get3A_839 = arith.index_cast %add3A_838 : i32 to index
        %get3A_840 = arith.constant 0 : index
        %get3A_841 = tpu.vector_load %arg7[%get3A_839, %get3A_840] {strides = array<i32>} : memref<200x64xbf16, #tpu.memory_space<vmem>>, vector<32xbf16>,
        %add3A_842 = arith.addf %get3A_833, %get3A_841 : vector<32xbf16>
        %add3A_843 = arith.constant 1 : i32
        %add3A_844 = arith.addi %mul3A_830, %add3A_843 : i32
        %get3A_845 = arith.index_cast %add3A_844 : i32 to index
        %get3A_846 = arith.constant 32 : index
        %get3A_847 = tpu.vector_load %arg7[%get3A_845, %get3A_846] {strides = array<i32>} : memref<200x64xbf16, #tpu.memory_space<vmem>>, vector<32xbf16>,
        %add3A_848 = arith.addf %get3A_836, %get3A_847 : vector<32xbf16>
        %add3A_849 = arith.constant 2 : i32
        %add3A_850 = arith.addi %mul3A_830, %add3A_849 : i32
        %get3A_851 = arith.index_cast %add3A_850 : i32 to index
        %get3A_852 = arith.constant 0 : index
        %get3A_853 = tpu.vector_load %arg7[%get3A_851, %get3A_852] {strides = array<i32>} : memref<200x64xbf16, #tpu.memory_space<vmem>>, vector<32xbf16>,
        %add3A_854 = arith.addf %add3A_842, %get3A_853 : vector<32xbf16>
        %add3A_855 = arith.constant 2 : i32
        %add3A_856 = arith.addi %mul3A_830, %add3A_855 : i32
        %get3A_857 = arith.index_cast %add3A_856 : i32 to index
        %get3A_858 = arith.constant 32 : index
        %get3A_859 = tpu.vector_load %arg7[%get3A_857, %get3A_858] {strides = array<i32>} : memref<200x64xbf16, #tpu.memory_space<vmem>>, vector<32xbf16>,
        %add3A_860 = arith.addf %add3A_848, %get3A_859 : vector<32xbf16>
        %add3A_861 = arith.constant 3 : i32
        %add3A_862 = arith.addi %mul3A_830, %add3A_861 : i32
        %get3A_863 = arith.index_cast %add3A_862 : i32 to index
        %get3A_864 = arith.constant 0 : index
        %get3A_865 = tpu.vector_load %arg7[%get3A_863, %get3A_864] {strides = array<i32>} : memref<200x64xbf16, #tpu.memory_space<vmem>>, vector<32xbf16>,
        %add3A_866 = arith.addf %add3A_854, %get3A_865 : vector<32xbf16>
        %add3A_867 = arith.constant 3 : i32
        %add3A_868 = arith.addi %mul3A_830, %add3A_867 : i32
        %get3A_869 = arith.index_cast %add3A_868 : i32 to index
        %get3A_870 = arith.constant 32 : index
        %get3A_871 = tpu.vector_load %arg7[%get3A_869, %get3A_870] {strides = array<i32>} : memref<200x64xbf16, #tpu.memory_space<vmem>>, vector<32xbf16>,
        %add3A_872 = arith.addf %add3A_860, %get3A_871 : vector<32xbf16>
        %add3A_873 = arith.constant 4 : i32
        %add3A_874 = arith.addi %mul3A_830, %add3A_873 : i32
        %get3A_875 = arith.index_cast %add3A_874 : i32 to index
        %get3A_876 = arith.constant 0 : index
        %get3A_877 = tpu.vector_load %arg7[%get3A_875, %get3A_876] {strides = array<i32>} : memref<200x64xbf16, #tpu.memory_space<vmem>>, vector<32xbf16>,
        %add3A_878 = arith.addf %add3A_866, %get3A_877 : vector<32xbf16>
        %add3A_879 = arith.constant 4 : i32
        %add3A_880 = arith.addi %mul3A_830, %add3A_879 : i32
        %get3A_881 = arith.index_cast %add3A_880 : i32 to index
        %get3A_882 = arith.constant 32 : index
        %get3A_883 = tpu.vector_load %arg7[%get3A_881, %get3A_882] {strides = array<i32>} : memref<200x64xbf16, #tpu.memory_space<vmem>>, vector<32xbf16>,
        %add3A_884 = arith.addf %add3A_872, %get3A_883 : vector<32xbf16>
        %add3A_885 = arith.constant 5 : i32
        %add3A_886 = arith.addi %mul3A_830, %add3A_885 : i32
        %get3A_887 = arith.index_cast %add3A_886 : i32 to index
        %get3A_888 = arith.constant 0 : index
        %get3A_889 = tpu.vector_load %arg7[%get3A_887, %get3A_888] {strides = array<i32>} : memref<200x64xbf16, #tpu.memory_space<vmem>>, vector<32xbf16>,
        %add3A_890 = arith.addf %add3A_878, %get3A_889 : vector<32xbf16>
        %add3A_891 = arith.constant 5 : i32
        %add3A_892 = arith.addi %mul3A_830, %add3A_891 : i32
        %get3A_893 = arith.index_cast %add3A_892 : i32 to index
        %get3A_894 = arith.constant 32 : index
        %get3A_895 = tpu.vector_load %arg7[%get3A_893, %get3A_894] {strides = array<i32>} : memref<200x64xbf16, #tpu.memory_space<vmem>>, vector<32xbf16>,
        %add3A_896 = arith.addf %add3A_884, %get3A_895 : vector<32xbf16>
        %add3A_897 = arith.constant 6 : i32
        %add3A_898 = arith.addi %mul3A_830, %add3A_897 : i32
        %get3A_899 = arith.index_cast %add3A_898 : i32 to index
        %get3A_900 = arith.constant 0 : index
        %get3A_901 = tpu.vector_load %arg7[%get3A_899, %get3A_900] {strides = array<i32>} : memref<200x64xbf16, #tpu.memory_space<vmem>>, vector<32xbf16>,
        %add3A_902 = arith.addf %add3A_890, %get3A_901 : vector<32xbf16>
        %add3A_903 = arith.constant 6 : i32
        %add3A_904 = arith.addi %mul3A_830, %add3A_903 : i32
        %get3A_905 = arith.index_cast %add3A_904 : i32 to index
        %get3A_906 = arith.constant 32 : index
        %get3A_907 = tpu.vector_load %arg7[%get3A_905, %get3A_906] {strides = array<i32>} : memref<200x64xbf16, #tpu.memory_space<vmem>>, vector<32xbf16>,
        %add3A_908 = arith.addf %add3A_896, %get3A_907 : vector<32xbf16>
        %add3A_909 = arith.constant 7 : i32
        %add3A_910 = arith.addi %mul3A_830, %add3A_909 : i32
        %get3A_911 = arith.index_cast %add3A_910 : i32 to index
        %get3A_912 = arith.constant 0 : index
        %get3A_913 = tpu.vector_load %arg7[%get3A_911, %get3A_912] {strides = array<i32>} : memref<200x64xbf16, #tpu.memory_space<vmem>>, vector<32xbf16>,
        %add3A_914 = arith.addf %add3A_902, %get3A_913 : vector<32xbf16>
        %add3A_915 = arith.constant 7 : i32
        %add3A_916 = arith.addi %mul3A_830, %add3A_915 : i32
        %get3A_917 = arith.index_cast %add3A_916 : i32 to index
        %get3A_918 = arith.constant 32 : index
        %get3A_919 = tpu.vector_load %arg7[%get3A_917, %get3A_918] {strides = array<i32>} : memref<200x64xbf16, #tpu.memory_space<vmem>>, vector<32xbf16>,
        %add3A_920 = arith.addf %add3A_908, %get3A_919 : vector<32xbf16>
        %unpack3A_921 = tpu.unpack_subelements %add3A_914, 0 {pack_format = #tpu.pack_format<interleaved>} : vector<32xbf16> -> vector<16xf32>
        %unpack3A_922 = tpu.unpack_subelements %add3A_914, 1 {pack_format = #tpu.pack_format<interleaved>} : vector<32xbf16> -> vector<16xf32>
        %add3A_923 = arith.addf %scan3A_825, %unpack3A_921 : vector<16xf32>
        %add3A_924 = arith.addf %scan3A_826, %unpack3A_922 : vector<16xf32>
        %unpack3A_925 = tpu.unpack_subelements %add3A_920, 0 {pack_format = #tpu.pack_format<interleaved>} : vector<32xbf16> -> vector<16xf32>
        %unpack3A_926 = tpu.unpack_subelements %add3A_920, 1 {pack_format = #tpu.pack_format<interleaved>} : vector<32xbf16> -> vector<16xf32>
        %add3A_927 = arith.addf %scan3A_827, %unpack3A_925 : vector<16xf32>
        %add3A_928 = arith.addf %scan3A_828, %unpack3A_926 : vector<16xf32>
        %scan3A_929 = arith.constant 1 : i32
        %scan3A_930 = arith.addi %scan3A_824, %scan3A_929 : i32
        %mul3A_931 = arith.constant 8 : i32
        %mul3A_932 = arith.muli %scan3A_930, %mul3A_931 : i32
        %get3A_933 = arith.index_cast %mul3A_932 : i32 to index
        %get3A_934 = arith.constant 0 : index
        %get3A_935 = tpu.vector_load %arg7[%get3A_933, %get3A_934] {strides = array<i32>} : memref<200x64xbf16, #tpu.memory_space<vmem>>, vector<32xbf16>,
        %get3A_936 = arith.index_cast %mul3A_932 : i32 to index
        %get3A_937 = arith.constant 32 : index
        %get3A_938 = tpu.vector_load %arg7[%get3A_936, %get3A_937] {strides = array<i32>} : memref<200x64xbf16, #tpu.memory_space<vmem>>, vector<32xbf16>,
        %add3A_939 = arith.constant 1 : i32
        %add3A_940 = arith.addi %mul3A_932, %add3A_939 : i32
        %get3A_941 = arith.index_cast %add3A_940 : i32 to index
        %get3A_942 = arith.constant 0 : index
        %get3A_943 = tpu.vector_load %arg7[%get3A_941, %get3A_942] {strides = array<i32>} : memref<200x64xbf16, #tpu.memory_space<vmem>>, vector<32xbf16>,
        %add3A_944 = arith.addf %get3A_935, %get3A_943 : vector<32xbf16>
        %add3A_945 = arith.constant 1 : i32
        %add3A_946 = arith.addi %mul3A_932, %add3A_945 : i32
        %get3A_947 = arith.index_cast %add3A_946 : i32 to index
        %get3A_948 = arith.constant 32 : index
        %get3A_949 = tpu.vector_load %arg7[%get3A_947, %get3A_948] {strides = array<i32>} : memref<200x64xbf16, #tpu.memory_space<vmem>>, vector<32xbf16>,
        %add3A_950 = arith.addf %get3A_938, %get3A_949 : vector<32xbf16>
        %add3A_951 = arith.constant 2 : i32
        %add3A_952 = arith.addi %mul3A_932, %add3A_951 : i32
        %get3A_953 = arith.index_cast %add3A_952 : i32 to index
        %get3A_954 = arith.constant 0 : index
        %get3A_955 = tpu.vector_load %arg7[%get3A_953, %get3A_954] {strides = array<i32>} : memref<200x64xbf16, #tpu.memory_space<vmem>>, vector<32xbf16>,
        %add3A_956 = arith.addf %add3A_944, %get3A_955 : vector<32xbf16>
        %add3A_957 = arith.constant 2 : i32
        %add3A_958 = arith.addi %mul3A_932, %add3A_957 : i32
        %get3A_959 = arith.index_cast %add3A_958 : i32 to index
        %get3A_960 = arith.constant 32 : index
        %get3A_961 = tpu.vector_load %arg7[%get3A_959, %get3A_960] {strides = array<i32>} : memref<200x64xbf16, #tpu.memory_space<vmem>>, vector<32xbf16>,
        %add3A_962 = arith.addf %add3A_950, %get3A_961 : vector<32xbf16>
        %add3A_963 = arith.constant 3 : i32
        %add3A_964 = arith.addi %mul3A_932, %add3A_963 : i32
        %get3A_965 = arith.index_cast %add3A_964 : i32 to index
        %get3A_966 = arith.constant 0 : index
        %get3A_967 = tpu.vector_load %arg7[%get3A_965, %get3A_966] {strides = array<i32>} : memref<200x64xbf16, #tpu.memory_space<vmem>>, vector<32xbf16>,
        %add3A_968 = arith.addf %add3A_956, %get3A_967 : vector<32xbf16>
        %add3A_969 = arith.constant 3 : i32
        %add3A_970 = arith.addi %mul3A_932, %add3A_969 : i32
        %get3A_971 = arith.index_cast %add3A_970 : i32 to index
        %get3A_972 = arith.constant 32 : index
        %get3A_973 = tpu.vector_load %arg7[%get3A_971, %get3A_972] {strides = array<i32>} : memref<200x64xbf16, #tpu.memory_space<vmem>>, vector<32xbf16>,
        %add3A_974 = arith.addf %add3A_962, %get3A_973 : vector<32xbf16>
        %add3A_975 = arith.constant 4 : i32
        %add3A_976 = arith.addi %mul3A_932, %add3A_975 : i32
        %get3A_977 = arith.index_cast %add3A_976 : i32 to index
        %get3A_978 = arith.constant 0 : index
        %get3A_979 = tpu.vector_load %arg7[%get3A_977, %get3A_978] {strides = array<i32>} : memref<200x64xbf16, #tpu.memory_space<vmem>>, vector<32xbf16>,
        %add3A_980 = arith.addf %add3A_968, %get3A_979 : vector<32xbf16>
        %add3A_981 = arith.constant 4 : i32
        %add3A_982 = arith.addi %mul3A_932, %add3A_981 : i32
        %get3A_983 = arith.index_cast %add3A_982 : i32 to index
        %get3A_984 = arith.constant 32 : index
        %get3A_985 = tpu.vector_load %arg7[%get3A_983, %get3A_984] {strides = array<i32>} : memref<200x64xbf16, #tpu.memory_space<vmem>>, vector<32xbf16>,
        %add3A_986 = arith.addf %add3A_974, %get3A_985 : vector<32xbf16>
        %add3A_987 = arith.constant 5 : i32
        %add3A_988 = arith.addi %mul3A_932, %add3A_987 : i32
        %get3A_989 = arith.index_cast %add3A_988 : i32 to index
        %get3A_990 = arith.constant 0 : index
        %get3A_991 = tpu.vector_load %arg7[%get3A_989, %get3A_990] {strides = array<i32>} : memref<200x64xbf16, #tpu.memory_space<vmem>>, vector<32xbf16>,
        %add3A_992 = arith.addf %add3A_980, %get3A_991 : vector<32xbf16>
        %add3A_993 = arith.constant 5 : i32
        %add3A_994 = arith.addi %mul3A_932, %add3A_993 : i32
        %get3A_995 = arith.index_cast %add3A_994 : i32 to index
        %get3A_996 = arith.constant 32 : index
        %get3A_997 = tpu.vector_load %arg7[%get3A_995, %get3A_996] {strides = array<i32>} : memref<200x64xbf16, #tpu.memory_space<vmem>>, vector<32xbf16>,
        %add3A_998 = arith.addf %add3A_986, %get3A_997 : vector<32xbf16>
        %add3A_999 = arith.constant 6 : i32
        %add3A_1000 = arith.addi %mul3A_932, %add3A_999 : i32
        %get3A_1001 = arith.index_cast %add3A_1000 : i32 to index
        %get3A_1002 = arith.constant 0 : index
        %get3A_1003 = tpu.vector_load %arg7[%get3A_1001, %get3A_1002] {strides = array<i32>} : memref<200x64xbf16, #tpu.memory_space<vmem>>, vector<32xbf16>,
        %add3A_1004 = arith.addf %add3A_992, %get3A_1003 : vector<32xbf16>
        %add3A_1005 = arith.constant 6 : i32
        %add3A_1006 = arith.addi %mul3A_932, %add3A_1005 : i32
        %get3A_1007 = arith.index_cast %add3A_1006 : i32 to index
        %get3A_1008 = arith.constant 32 : index
        %get3A_1009 = tpu.vector_load %arg7[%get3A_1007, %get3A_1008] {strides = array<i32>} : memref<200x64xbf16, #tpu.memory_space<vmem>>, vector<32xbf16>,
        %add3A_1010 = arith.addf %add3A_998, %get3A_1009 : vector<32xbf16>
        %add3A_1011 = arith.constant 7 : i32
        %add3A_1012 = arith.addi %mul3A_932, %add3A_1011 : i32
        %get3A_1013 = arith.index_cast %add3A_1012 : i32 to index
        %get3A_1014 = arith.constant 0 : index
        %get3A_1015 = tpu.vector_load %arg7[%get3A_1013, %get3A_1014] {strides = array<i32>} : memref<200x64xbf16, #tpu.memory_space<vmem>>, vector<32xbf16>,
        %add3A_1016 = arith.addf %add3A_1004, %get3A_1015 : vector<32xbf16>
        %add3A_1017 = arith.constant 7 : i32
        %add3A_1018 = arith.addi %mul3A_932, %add3A_1017 : i32
        %get3A_1019 = arith.index_cast %add3A_1018 : i32 to index
        %get3A_1020 = arith.constant 32 : index
        %get3A_1021 = tpu.vector_load %arg7[%get3A_1019, %get3A_1020] {strides = array<i32>} : memref<200x64xbf16, #tpu.memory_space<vmem>>, vector<32xbf16>,
        %add3A_1022 = arith.addf %add3A_1010, %get3A_1021 : vector<32xbf16>
        %unpack3A_1023 = tpu.unpack_subelements %add3A_1016, 0 {pack_format = #tpu.pack_format<interleaved>} : vector<32xbf16> -> vector<16xf32>
        %unpack3A_1024 = tpu.unpack_subelements %add3A_1016, 1 {pack_format = #tpu.pack_format<interleaved>} : vector<32xbf16> -> vector<16xf32>
        %add3A_1025 = arith.addf %add3A_923, %unpack3A_1023 : vector<16xf32>
        %add3A_1026 = arith.addf %add3A_924, %unpack3A_1024 : vector<16xf32>
        %unpack3A_1027 = tpu.unpack_subelements %add3A_1022, 0 {pack_format = #tpu.pack_format<interleaved>} : vector<32xbf16> -> vector<16xf32>
        %unpack3A_1028 = tpu.unpack_subelements %add3A_1022, 1 {pack_format = #tpu.pack_format<interleaved>} : vector<32xbf16> -> vector<16xf32>
        %add3A_1029 = arith.addf %add3A_927, %unpack3A_1027 : vector<16xf32>
        %add3A_1030 = arith.addf %add3A_928, %unpack3A_1028 : vector<16xf32>
        scf.yield %add3A_1025, %add3A_1026, %add3A_1029, %add3A_1030 : vector<16xf32>, vector<16xf32>, vector<16xf32>, vector<16xf32>
      }
      %scan3A_435 = arith.constant 24 : i32
      %scan3A_436 = arith.addi %scan3A_430, %scan3A_435 : i32
      %mul3A_437 = arith.constant 8 : i32
      %mul3A_438 = arith.muli %scan3A_436, %mul3A_437 : i32
      %get3A_439 = arith.index_cast %mul3A_438 : i32 to index
      %get3A_440 = arith.constant 0 : index
      %get3A_441 = tpu.vector_load %arg7[%get3A_439, %get3A_440] {strides = array<i32>} : memref<200x64xbf16, #tpu.memory_space<vmem>>, vector<32xbf16>,
      %get3A_442 = arith.index_cast %mul3A_438 : i32 to index
      %get3A_443 = arith.constant 32 : index
      %get3A_444 = tpu.vector_load %arg7[%get3A_442, %get3A_443] {strides = array<i32>} : memref<200x64xbf16, #tpu.memory_space<vmem>>, vector<32xbf16>,
      %add3A_445 = arith.constant 1 : i32
      %add3A_446 = arith.addi %mul3A_438, %add3A_445 : i32
      %get3A_447 = arith.index_cast %add3A_446 : i32 to index
      %get3A_448 = arith.constant 0 : index
      %get3A_449 = tpu.vector_load %arg7[%get3A_447, %get3A_448] {strides = array<i32>} : memref<200x64xbf16, #tpu.memory_space<vmem>>, vector<32xbf16>,
      %add3A_450 = arith.addf %get3A_441, %get3A_449 : vector<32xbf16>
      %add3A_451 = arith.constant 1 : i32
      %add3A_452 = arith.addi %mul3A_438, %add3A_451 : i32
      %get3A_453 = arith.index_cast %add3A_452 : i32 to index
      %get3A_454 = arith.constant 32 : index
      %get3A_455 = tpu.vector_load %arg7[%get3A_453, %get3A_454] {strides = array<i32>} : memref<200x64xbf16, #tpu.memory_space<vmem>>, vector<32xbf16>,
      %add3A_456 = arith.addf %get3A_444, %get3A_455 : vector<32xbf16>
      %add3A_457 = arith.constant 2 : i32
      %add3A_458 = arith.addi %mul3A_438, %add3A_457 : i32
      %get3A_459 = arith.index_cast %add3A_458 : i32 to index
      %get3A_460 = arith.constant 0 : index
      %get3A_461 = tpu.vector_load %arg7[%get3A_459, %get3A_460] {strides = array<i32>} : memref<200x64xbf16, #tpu.memory_space<vmem>>, vector<32xbf16>,
      %add3A_462 = arith.addf %add3A_450, %get3A_461 : vector<32xbf16>
      %add3A_463 = arith.constant 2 : i32
      %add3A_464 = arith.addi %mul3A_438, %add3A_463 : i32
      %get3A_465 = arith.index_cast %add3A_464 : i32 to index
      %get3A_466 = arith.constant 32 : index
      %get3A_467 = tpu.vector_load %arg7[%get3A_465, %get3A_466] {strides = array<i32>} : memref<200x64xbf16, #tpu.memory_space<vmem>>, vector<32xbf16>,
      %add3A_468 = arith.addf %add3A_456, %get3A_467 : vector<32xbf16>
      %add3A_469 = arith.constant 3 : i32
      %add3A_470 = arith.addi %mul3A_438, %add3A_469 : i32
      %get3A_471 = arith.index_cast %add3A_470 : i32 to index
      %get3A_472 = arith.constant 0 : index
      %get3A_473 = tpu.vector_load %arg7[%get3A_471, %get3A_472] {strides = array<i32>} : memref<200x64xbf16, #tpu.memory_space<vmem>>, vector<32xbf16>,
      %add3A_474 = arith.addf %add3A_462, %get3A_473 : vector<32xbf16>
      %add3A_475 = arith.constant 3 : i32
      %add3A_476 = arith.addi %mul3A_438, %add3A_475 : i32
      %get3A_477 = arith.index_cast %add3A_476 : i32 to index
      %get3A_478 = arith.constant 32 : index
      %get3A_479 = tpu.vector_load %arg7[%get3A_477, %get3A_478] {strides = array<i32>} : memref<200x64xbf16, #tpu.memory_space<vmem>>, vector<32xbf16>,
      %add3A_480 = arith.addf %add3A_468, %get3A_479 : vector<32xbf16>
      %add3A_481 = arith.constant 4 : i32
      %add3A_482 = arith.addi %mul3A_438, %add3A_481 : i32
      %get3A_483 = arith.index_cast %add3A_482 : i32 to index
      %get3A_484 = arith.constant 0 : index
      %get3A_485 = tpu.vector_load %arg7[%get3A_483, %get3A_484] {strides = array<i32>} : memref<200x64xbf16, #tpu.memory_space<vmem>>, vector<32xbf16>,
      %add3A_486 = arith.addf %add3A_474, %get3A_485 : vector<32xbf16>
      %add3A_487 = arith.constant 4 : i32
      %add3A_488 = arith.addi %mul3A_438, %add3A_487 : i32
      %get3A_489 = arith.index_cast %add3A_488 : i32 to index
      %get3A_490 = arith.constant 32 : index
      %get3A_491 = tpu.vector_load %arg7[%get3A_489, %get3A_490] {strides = array<i32>} : memref<200x64xbf16, #tpu.memory_space<vmem>>, vector<32xbf16>,
      %add3A_492 = arith.addf %add3A_480, %get3A_491 : vector<32xbf16>
      %add3A_493 = arith.constant 5 : i32
      %add3A_494 = arith.addi %mul3A_438, %add3A_493 : i32
      %get3A_495 = arith.index_cast %add3A_494 : i32 to index
      %get3A_496 = arith.constant 0 : index
      %get3A_497 = tpu.vector_load %arg7[%get3A_495, %get3A_496] {strides = array<i32>} : memref<200x64xbf16, #tpu.memory_space<vmem>>, vector<32xbf16>,
      %add3A_498 = arith.addf %add3A_486, %get3A_497 : vector<32xbf16>
      %add3A_499 = arith.constant 5 : i32
      %add3A_500 = arith.addi %mul3A_438, %add3A_499 : i32
      %get3A_501 = arith.index_cast %add3A_500 : i32 to index
      %get3A_502 = arith.constant 32 : index
      %get3A_503 = tpu.vector_load %arg7[%get3A_501, %get3A_502] {strides = array<i32>} : memref<200x64xbf16, #tpu.memory_space<vmem>>, vector<32xbf16>,
      %add3A_504 = arith.addf %add3A_492, %get3A_503 : vector<32xbf16>
      %add3A_505 = arith.constant 6 : i32
      %add3A_506 = arith.addi %mul3A_438, %add3A_505 : i32
      %get3A_507 = arith.index_cast %add3A_506 : i32 to index
      %get3A_508 = arith.constant 0 : index
      %get3A_509 = tpu.vector_load %arg7[%get3A_507, %get3A_508] {strides = array<i32>} : memref<200x64xbf16, #tpu.memory_space<vmem>>, vector<32xbf16>,
      %add3A_510 = arith.addf %add3A_498, %get3A_509 : vector<32xbf16>
      %add3A_511 = arith.constant 6 : i32
      %add3A_512 = arith.addi %mul3A_438, %add3A_511 : i32
      %get3A_513 = arith.index_cast %add3A_512 : i32 to index
      %get3A_514 = arith.constant 32 : index
      %get3A_515 = tpu.vector_load %arg7[%get3A_513, %get3A_514] {strides = array<i32>} : memref<200x64xbf16, #tpu.memory_space<vmem>>, vector<32xbf16>,
      %add3A_516 = arith.addf %add3A_504, %get3A_515 : vector<32xbf16>
      %add3A_517 = arith.constant 7 : i32
      %add3A_518 = arith.addi %mul3A_438, %add3A_517 : i32
      %get3A_519 = arith.index_cast %add3A_518 : i32 to index
      %get3A_520 = arith.constant 0 : index
      %get3A_521 = tpu.vector_load %arg7[%get3A_519, %get3A_520] {strides = array<i32>} : memref<200x64xbf16, #tpu.memory_space<vmem>>, vector<32xbf16>,
      %add3A_522 = arith.addf %add3A_510, %get3A_521 : vector<32xbf16>
      %add3A_523 = arith.constant 7 : i32
      %add3A_524 = arith.addi %mul3A_438, %add3A_523 : i32
      %get3A_525 = arith.index_cast %add3A_524 : i32 to index
      %get3A_526 = arith.constant 32 : index
      %get3A_527 = tpu.vector_load %arg7[%get3A_525, %get3A_526] {strides = array<i32>} : memref<200x64xbf16, #tpu.memory_space<vmem>>, vector<32xbf16>,
      %add3A_528 = arith.addf %add3A_516, %get3A_527 : vector<32xbf16>
      %unpack3A_529 = tpu.unpack_subelements %add3A_522, 0 {pack_format = #tpu.pack_format<interleaved>} : vector<32xbf16> -> vector<16xf32>
      %unpack3A_530 = tpu.unpack_subelements %add3A_522, 1 {pack_format = #tpu.pack_format<interleaved>} : vector<32xbf16> -> vector<16xf32>
      %add3A_531 = arith.addf %scan3A_434#0, %unpack3A_529 : vector<16xf32>
      %add3A_532 = arith.addf %scan3A_434#1, %unpack3A_530 : vector<16xf32>
      %unpack3A_533 = tpu.unpack_subelements %add3A_528, 0 {pack_format = #tpu.pack_format<interleaved>} : vector<32xbf16> -> vector<16xf32>
      %unpack3A_534 = tpu.unpack_subelements %add3A_528, 1 {pack_format = #tpu.pack_format<interleaved>} : vector<32xbf16> -> vector<16xf32>
      %add3A_535 = arith.addf %scan3A_434#2, %unpack3A_533 : vector<16xf32>
      %add3A_536 = arith.addf %scan3A_434#3, %unpack3A_534 : vector<16xf32>
      %scan3A_537 = arith.constant 25 : i32
      %get3A_538 = arith.index_cast %mul3A_399 : i32 to index
      %get3A_539 = tpu.vector_load %arg9[%get3A_538] {strides = array<i32>} : memref<144xi32, #tpu.memory_space<vmem>>, vector<16xi32>,
      %convert_element_type3A_540 = arith.sitofp %get3A_539 : vector<16xi32> to vector<16xf32>
      %broadcast_in_dim3A_541 = arith.constant 1.000000e+00 : f32
      %broadcast_in_dim3A_542 = vector.broadcast %broadcast_in_dim3A_541 : f32 to vector<16xf32>
      %div3A_543 = arith.divf %broadcast_in_dim3A_542, %convert_element_type3A_540 : vector<16xf32>
      %slice3A_544 = vector.extract_strided_slice %div3A_543 {offsets = [0], sizes = [1], strides = [1]} : vector<16xf32> to vector<1xf32>
      %squeeze3A_545 = vector.extract %slice3A_544[0] : f32 from vector<1xf32>
      %mul3A_546 = arith.constant 64 : i32
      %mul3A_547 = arith.muli %mul3A_399, %mul3A_546 : i32
      %iota3A_548 = tpu.iota {dimensions = array<i32: 0>} : vector<16xi32>
      %mul3A_549 = arith.constant 2 : i32
      %mul3A_550 = vector.broadcast %mul3A_549 : i32 to vector<16xi32>
      %mul3A_551 = arith.muli %mul3A_550, %iota3A_548 : vector<16xi32>
      %add3A_552 = vector.broadcast %mul3A_547 : i32 to vector<16xi32>
      %add3A_553 = arith.addi %add3A_552, %mul3A_551 : vector<16xi32>
      %add3A_554 = arith.constant 0 : i32
      %add3A_555 = vector.broadcast %add3A_554 : i32 to vector<16xi32>
      %add3A_556 = arith.addi %add3A_553, %add3A_555 : vector<16xi32>
      %mul3A_557 = vector.broadcast %squeeze3A_545 : f32 to vector<16xf32>
      %mul3A_558 = arith.mulf %add3A_531, %mul3A_557 : vector<16xf32>
      tpu.vector_store_idx %arg10[%add3A_556], %mul3A_558 : memref<8192xf32, #tpu.memory_space<vmem>>[vector<16xi32>], vector<16xf32>,
      %add3A_559 = vector.broadcast %mul3A_547 : i32 to vector<16xi32>
      %add3A_560 = arith.addi %add3A_559, %mul3A_551 : vector<16xi32>
      %add3A_561 = arith.constant 0 : i32
      %add3A_562 = vector.broadcast %add3A_561 : i32 to vector<16xi32>
      %add3A_563 = arith.addi %add3A_560, %add3A_562 : vector<16xi32>
      %add3A_564 = arith.constant 1 : i32
      %add3A_565 = vector.broadcast %add3A_564 : i32 to vector<16xi32>
      %add3A_566 = arith.addi %add3A_563, %add3A_565 : vector<16xi32>
      %mul3A_567 = vector.broadcast %squeeze3A_545 : f32 to vector<16xf32>
      %mul3A_568 = arith.mulf %add3A_532, %mul3A_567 : vector<16xf32>
      tpu.vector_store_idx %arg10[%add3A_566], %mul3A_568 : memref<8192xf32, #tpu.memory_space<vmem>>[vector<16xi32>], vector<16xf32>,
      %add3A_569 = vector.broadcast %mul3A_547 : i32 to vector<16xi32>
      %add3A_570 = arith.addi %add3A_569, %mul3A_551 : vector<16xi32>
      %add3A_571 = arith.constant 32 : i32
      %add3A_572 = vector.broadcast %add3A_571 : i32 to vector<16xi32>
      %add3A_573 = arith.addi %add3A_570, %add3A_572 : vector<16xi32>
      %mul3A_574 = vector.broadcast %squeeze3A_545 : f32 to vector<16xf32>
      %mul3A_575 = arith.mulf %add3A_535, %mul3A_574 : vector<16xf32>
      tpu.vector_store_idx %arg10[%add3A_573], %mul3A_575 : memref<8192xf32, #tpu.memory_space<vmem>>[vector<16xi32>], vector<16xf32>,
      %add3A_576 = vector.broadcast %mul3A_547 : i32 to vector<16xi32>
      %add3A_577 = arith.addi %add3A_576, %mul3A_551 : vector<16xi32>
      %add3A_578 = arith.constant 32 : i32
      %add3A_579 = vector.broadcast %add3A_578 : i32 to vector<16xi32>
      %add3A_580 = arith.addi %add3A_577, %add3A_579 : vector<16xi32>
      %add3A_581 = arith.constant 1 : i32
      %add3A_582 = vector.broadcast %add3A_581 : i32 to vector<16xi32>
      %add3A_583 = arith.addi %add3A_580, %add3A_582 : vector<16xi32>
      %mul3A_584 = vector.broadcast %squeeze3A_545 : f32 to vector<16xf32>
      %mul3A_585 = arith.mulf %add3A_536, %mul3A_584 : vector<16xf32>
      tpu.vector_store_idx %arg10[%add3A_583], %mul3A_585 : memref<8192xf32, #tpu.memory_space<vmem>>[vector<16xi32>], vector<16xf32>,
      %add3A_586 = arith.constant 2 : i32
      %add3A_587 = arith.addi %mul3A_399, %add3A_586 : i32
      %mul3A_588 = arith.constant 200 : i32
      %mul3A_589 = arith.muli %add3A_587, %mul3A_588 : i32
      %add3A_590 = arith.constant 0 : i32
      %add3A_591 = arith.addi %mul3A_589, %add3A_590 : i32
      %dma_start3A_592 = arith.constant 0 : i32
      %dma_start3A_593 = arith.constant 0 : i32
      %dma_start3A_594 = tpu.memref_slice %arg7[%dma_start3A_592, %dma_start3A_593] : memref<200x64xbf16, #tpu.memory_space<vmem>> -> memref<104x64xbf16, #tpu.memory_space<vmem>>
      %dma_start3A_595 = tpu.memref_slice %arg6[%add3A_591] : memref<25600xi32, #tpu.memory_space<vmem>> -> memref<104xi32, #tpu.memory_space<vmem>>
      %dma_start3A_596 = arith.constant 0 : i32
      %dma_start3A_597 = arith.constant 0 : i32
      %dma_start3A_598 = tpu.memref_slice %arg2[%dma_start3A_596, %dma_start3A_597] : memref<100000x64xbf16, #tpu.memory_space<hbm>> -> memref<100000x64xbf16, #tpu.memory_space<hbm>>
      tpu.enqueue_indirect_dma source(%dma_start3A_598 : memref<100000x64xbf16, #tpu.memory_space<hbm>>) target(%dma_start3A_594 : memref<104x64xbf16, #tpu.memory_space<vmem>>) offsets(%dma_start3A_595 : memref<104xi32, #tpu.memory_space<vmem>>) semaphore(%arg11 : memref<!tpu.dma_semaphore, #tpu.memory_space<semaphore_mem>>)
      %mul3A_599 = arith.constant 200 : i32
      %mul3A_600 = arith.muli %add3A_587, %mul3A_599 : i32
      %add3A_601 = arith.constant 104 : i32
      %add3A_602 = arith.addi %mul3A_600, %add3A_601 : i32
      %dma_start3A_603 = arith.constant 104 : i32
      %dma_start3A_604 = arith.constant 0 : i32
      %dma_start3A_605 = tpu.memref_slice %arg7[%dma_start3A_603, %dma_start3A_604] : memref<200x64xbf16, #tpu.memory_space<vmem>> -> memref<96x64xbf16, #tpu.memory_space<vmem>>
      %dma_start3A_606 = tpu.memref_slice %arg6[%add3A_602] : memref<25600xi32, #tpu.memory_space<vmem>> -> memref<96xi32, #tpu.memory_space<vmem>>
      %dma_start3A_607 = arith.constant 0 : i32
      %dma_start3A_608 = arith.constant 0 : i32
      %dma_start3A_609 = tpu.memref_slice %arg2[%dma_start3A_607, %dma_start3A_608] : memref<100000x64xbf16, #tpu.memory_space<hbm>> -> memref<100000x64xbf16, #tpu.memory_space<hbm>>
      tpu.enqueue_indirect_dma source(%dma_start3A_609 : memref<100000x64xbf16, #tpu.memory_space<hbm>>) target(%dma_start3A_605 : memref<96x64xbf16, #tpu.memory_space<vmem>>) offsets(%dma_start3A_606 : memref<96xi32, #tpu.memory_space<vmem>>) semaphore(%arg11 : memref<!tpu.dma_semaphore, #tpu.memory_space<semaphore_mem>>)
      %add3A_610 = arith.constant 1 : i32
      %add3A_611 = arith.addi %mul3A_399, %add3A_610 : i32
      %mul3A_612 = arith.constant 200 : i32
      %mul3A_613 = arith.muli %add3A_611, %mul3A_612 : i32
      %add3A_614 = arith.constant 0 : i32
      %add3A_615 = arith.addi %mul3A_613, %add3A_614 : i32
      %dma_wait3A_616 = arith.constant 0 : i32
      %dma_wait3A_617 = arith.constant 0 : i32
      %dma_wait3A_618 = tpu.memref_slice %arg8[%dma_wait3A_616, %dma_wait3A_617] : memref<200x64xbf16, #tpu.memory_space<vmem>> -> memref<104x64xbf16, #tpu.memory_space<vmem>>
      %dma_wait3A_619 = tpu.memref_slice %arg6[%add3A_615] : memref<25600xi32, #tpu.memory_space<vmem>> -> memref<104xi32, #tpu.memory_space<vmem>>
      %dma_wait3A_620 = arith.constant 0 : i32
      %dma_wait3A_621 = arith.constant 0 : i32
      %dma_wait3A_622 = tpu.memref_slice %arg2[%dma_wait3A_620, %dma_wait3A_621] : memref<100000x64xbf16, #tpu.memory_space<hbm>> -> memref<100000x64xbf16, #tpu.memory_space<hbm>>
      tpu.wait_indirect_dma semaphore(%arg12 : memref<!tpu.dma_semaphore, #tpu.memory_space<semaphore_mem>>) src(%dma_wait3A_622 : memref<100000x64xbf16, #tpu.memory_space<hbm>>) dst(%dma_wait3A_618 : memref<104x64xbf16, #tpu.memory_space<vmem>>)
      %mul3A_623 = arith.constant 200 : i32
      %mul3A_624 = arith.muli %add3A_611, %mul3A_623 : i32
      %add3A_625 = arith.constant 104 : i32
      %add3A_626 = arith.addi %mul3A_624, %add3A_625 : i32
      %dma_wait3A_627 = arith.constant 104 : i32
      %dma_wait3A_628 = arith.constant 0 : i32
      %dma_wait3A_629 = tpu.memref_slice %arg8[%dma_wait3A_627, %dma_wait3A_628] : memref<200x64xbf16, #tpu.memory_space<vmem>> -> memref<96x64xbf16, #tpu.memory_space<vmem>>
      %dma_wait3A_630 = tpu.memref_slice %arg6[%add3A_626] : memref<25600xi32, #tpu.memory_space<vmem>> -> memref<96xi32, #tpu.memory_space<vmem>>
      %dma_wait3A_631 = arith.constant 0 : i32
      %dma_wait3A_632 = arith.constant 0 : i32
      %dma_wait3A_633 = tpu.memref_slice %arg2[%dma_wait3A_631, %dma_wait3A_632] : memref<100000x64xbf16, #tpu.memory_space<hbm>> -> memref<100000x64xbf16, #tpu.memory_space<hbm>>
      tpu.wait_indirect_dma semaphore(%arg12 : memref<!tpu.dma_semaphore, #tpu.memory_space<semaphore_mem>>) src(%dma_wait3A_633 : memref<100000x64xbf16, #tpu.memory_space<hbm>>) dst(%dma_wait3A_629 : memref<96x64xbf16, #tpu.memory_space<vmem>>)
      %add3A_634 = arith.constant 1 : i32
      %add3A_635 = arith.addi %mul3A_399, %add3A_634 : i32
      %broadcast_in_dim3A_636 = arith.constant 0.000000e+00 : f32
      %broadcast_in_dim3A_637 = vector.broadcast %broadcast_in_dim3A_636 : f32 to vector<16xf32>
      %broadcast_in_dim3A_638 = arith.constant 0.000000e+00 : f32
      %broadcast_in_dim3A_639 = vector.broadcast %broadcast_in_dim3A_638 : f32 to vector<16xf32>
      %broadcast_in_dim3A_640 = arith.constant 0.000000e+00 : f32
      %broadcast_in_dim3A_641 = vector.broadcast %broadcast_in_dim3A_640 : f32 to vector<16xf32>
      %broadcast_in_dim3A_642 = arith.constant 0.000000e+00 : f32
      %broadcast_in_dim3A_643 = vector.broadcast %broadcast_in_dim3A_642 : f32 to vector<16xf32>
      %scan3A_644 = arith.constant 0 : i32
      %scan3A_645 = arith.constant 24 : i32
      %scan3A_646 = arith.addi %scan3A_644, %scan3A_645 : i32
      %scan3A_647 = arith.constant 2 : i32
      %scan3A_648:4 = scf.for %scan3A_824 = %scan3A_644 to %scan3A_646 step %scan3A_647 iter_args(%scan3A_825 = %broadcast_in_dim3A_637, %scan3A_826 = %broadcast_in_dim3A_639, %scan3A_827 = %broadcast_in_dim3A_641, %scan3A_828 = %broadcast_in_dim3A_643) -> (vector<16xf32>, vector<16xf32>, vector<16xf32>, vector<16xf32>)  : i32 {
        %mul3A_829 = arith.constant 8 : i32
        %mul3A_830 = arith.muli %scan3A_824, %mul3A_829 : i32
        %get3A_831 = arith.index_cast %mul3A_830 : i32 to index
        %get3A_832 = arith.constant 0 : index
        %get3A_833 = tpu.vector_load %arg8[%get3A_831, %get3A_832] {strides = array<i32>} : memref<200x64xbf16, #tpu.memory_space<vmem>>, vector<32xbf16>,
        %get3A_834 = arith.index_cast %mul3A_830 : i32 to index
        %get3A_835 = arith.constant 32 : index
        %get3A_836 = tpu.vector_load %arg8[%get3A_834, %get3A_835] {strides = array<i32>} : memref<200x64xbf16, #tpu.memory_space<vmem>>, vector<32xbf16>,
        %add3A_837 = arith.constant 1 : i32
        %add3A_838 = arith.addi %mul3A_830, %add3A_837 : i32
        %get3A_839 = arith.index_cast %add3A_838 : i32 to index
        %get3A_840 = arith.constant 0 : index
        %get3A_841 = tpu.vector_load %arg8[%get3A_839, %get3A_840] {strides = array<i32>} : memref<200x64xbf16, #tpu.memory_space<vmem>>, vector<32xbf16>,
        %add3A_842 = arith.addf %get3A_833, %get3A_841 : vector<32xbf16>
        %add3A_843 = arith.constant 1 : i32
        %add3A_844 = arith.addi %mul3A_830, %add3A_843 : i32
        %get3A_845 = arith.index_cast %add3A_844 : i32 to index
        %get3A_846 = arith.constant 32 : index
        %get3A_847 = tpu.vector_load %arg8[%get3A_845, %get3A_846] {strides = array<i32>} : memref<200x64xbf16, #tpu.memory_space<vmem>>, vector<32xbf16>,
        %add3A_848 = arith.addf %get3A_836, %get3A_847 : vector<32xbf16>
        %add3A_849 = arith.constant 2 : i32
        %add3A_850 = arith.addi %mul3A_830, %add3A_849 : i32
        %get3A_851 = arith.index_cast %add3A_850 : i32 to index
        %get3A_852 = arith.constant 0 : index
        %get3A_853 = tpu.vector_load %arg8[%get3A_851, %get3A_852] {strides = array<i32>} : memref<200x64xbf16, #tpu.memory_space<vmem>>, vector<32xbf16>,
        %add3A_854 = arith.addf %add3A_842, %get3A_853 : vector<32xbf16>
        %add3A_855 = arith.constant 2 : i32
        %add3A_856 = arith.addi %mul3A_830, %add3A_855 : i32
        %get3A_857 = arith.index_cast %add3A_856 : i32 to index
        %get3A_858 = arith.constant 32 : index
        %get3A_859 = tpu.vector_load %arg8[%get3A_857, %get3A_858] {strides = array<i32>} : memref<200x64xbf16, #tpu.memory_space<vmem>>, vector<32xbf16>,
        %add3A_860 = arith.addf %add3A_848, %get3A_859 : vector<32xbf16>
        %add3A_861 = arith.constant 3 : i32
        %add3A_862 = arith.addi %mul3A_830, %add3A_861 : i32
        %get3A_863 = arith.index_cast %add3A_862 : i32 to index
        %get3A_864 = arith.constant 0 : index
        %get3A_865 = tpu.vector_load %arg8[%get3A_863, %get3A_864] {strides = array<i32>} : memref<200x64xbf16, #tpu.memory_space<vmem>>, vector<32xbf16>,
        %add3A_866 = arith.addf %add3A_854, %get3A_865 : vector<32xbf16>
        %add3A_867 = arith.constant 3 : i32
        %add3A_868 = arith.addi %mul3A_830, %add3A_867 : i32
        %get3A_869 = arith.index_cast %add3A_868 : i32 to index
        %get3A_870 = arith.constant 32 : index
        %get3A_871 = tpu.vector_load %arg8[%get3A_869, %get3A_870] {strides = array<i32>} : memref<200x64xbf16, #tpu.memory_space<vmem>>, vector<32xbf16>,
        %add3A_872 = arith.addf %add3A_860, %get3A_871 : vector<32xbf16>
        %add3A_873 = arith.constant 4 : i32
        %add3A_874 = arith.addi %mul3A_830, %add3A_873 : i32
        %get3A_875 = arith.index_cast %add3A_874 : i32 to index
        %get3A_876 = arith.constant 0 : index
        %get3A_877 = tpu.vector_load %arg8[%get3A_875, %get3A_876] {strides = array<i32>} : memref<200x64xbf16, #tpu.memory_space<vmem>>, vector<32xbf16>,
        %add3A_878 = arith.addf %add3A_866, %get3A_877 : vector<32xbf16>
        %add3A_879 = arith.constant 4 : i32
        %add3A_880 = arith.addi %mul3A_830, %add3A_879 : i32
        %get3A_881 = arith.index_cast %add3A_880 : i32 to index
        %get3A_882 = arith.constant 32 : index
        %get3A_883 = tpu.vector_load %arg8[%get3A_881, %get3A_882] {strides = array<i32>} : memref<200x64xbf16, #tpu.memory_space<vmem>>, vector<32xbf16>,
        %add3A_884 = arith.addf %add3A_872, %get3A_883 : vector<32xbf16>
        %add3A_885 = arith.constant 5 : i32
        %add3A_886 = arith.addi %mul3A_830, %add3A_885 : i32
        %get3A_887 = arith.index_cast %add3A_886 : i32 to index
        %get3A_888 = arith.constant 0 : index
        %get3A_889 = tpu.vector_load %arg8[%get3A_887, %get3A_888] {strides = array<i32>} : memref<200x64xbf16, #tpu.memory_space<vmem>>, vector<32xbf16>,
        %add3A_890 = arith.addf %add3A_878, %get3A_889 : vector<32xbf16>
        %add3A_891 = arith.constant 5 : i32
        %add3A_892 = arith.addi %mul3A_830, %add3A_891 : i32
        %get3A_893 = arith.index_cast %add3A_892 : i32 to index
        %get3A_894 = arith.constant 32 : index
        %get3A_895 = tpu.vector_load %arg8[%get3A_893, %get3A_894] {strides = array<i32>} : memref<200x64xbf16, #tpu.memory_space<vmem>>, vector<32xbf16>,
        %add3A_896 = arith.addf %add3A_884, %get3A_895 : vector<32xbf16>
        %add3A_897 = arith.constant 6 : i32
        %add3A_898 = arith.addi %mul3A_830, %add3A_897 : i32
        %get3A_899 = arith.index_cast %add3A_898 : i32 to index
        %get3A_900 = arith.constant 0 : index
        %get3A_901 = tpu.vector_load %arg8[%get3A_899, %get3A_900] {strides = array<i32>} : memref<200x64xbf16, #tpu.memory_space<vmem>>, vector<32xbf16>,
        %add3A_902 = arith.addf %add3A_890, %get3A_901 : vector<32xbf16>
        %add3A_903 = arith.constant 6 : i32
        %add3A_904 = arith.addi %mul3A_830, %add3A_903 : i32
        %get3A_905 = arith.index_cast %add3A_904 : i32 to index
        %get3A_906 = arith.constant 32 : index
        %get3A_907 = tpu.vector_load %arg8[%get3A_905, %get3A_906] {strides = array<i32>} : memref<200x64xbf16, #tpu.memory_space<vmem>>, vector<32xbf16>,
        %add3A_908 = arith.addf %add3A_896, %get3A_907 : vector<32xbf16>
        %add3A_909 = arith.constant 7 : i32
        %add3A_910 = arith.addi %mul3A_830, %add3A_909 : i32
        %get3A_911 = arith.index_cast %add3A_910 : i32 to index
        %get3A_912 = arith.constant 0 : index
        %get3A_913 = tpu.vector_load %arg8[%get3A_911, %get3A_912] {strides = array<i32>} : memref<200x64xbf16, #tpu.memory_space<vmem>>, vector<32xbf16>,
        %add3A_914 = arith.addf %add3A_902, %get3A_913 : vector<32xbf16>
        %add3A_915 = arith.constant 7 : i32
        %add3A_916 = arith.addi %mul3A_830, %add3A_915 : i32
        %get3A_917 = arith.index_cast %add3A_916 : i32 to index
        %get3A_918 = arith.constant 32 : index
        %get3A_919 = tpu.vector_load %arg8[%get3A_917, %get3A_918] {strides = array<i32>} : memref<200x64xbf16, #tpu.memory_space<vmem>>, vector<32xbf16>,
        %add3A_920 = arith.addf %add3A_908, %get3A_919 : vector<32xbf16>
        %unpack3A_921 = tpu.unpack_subelements %add3A_914, 0 {pack_format = #tpu.pack_format<interleaved>} : vector<32xbf16> -> vector<16xf32>
        %unpack3A_922 = tpu.unpack_subelements %add3A_914, 1 {pack_format = #tpu.pack_format<interleaved>} : vector<32xbf16> -> vector<16xf32>
        %add3A_923 = arith.addf %scan3A_825, %unpack3A_921 : vector<16xf32>
        %add3A_924 = arith.addf %scan3A_826, %unpack3A_922 : vector<16xf32>
        %unpack3A_925 = tpu.unpack_subelements %add3A_920, 0 {pack_format = #tpu.pack_format<interleaved>} : vector<32xbf16> -> vector<16xf32>
        %unpack3A_926 = tpu.unpack_subelements %add3A_920, 1 {pack_format = #tpu.pack_format<interleaved>} : vector<32xbf16> -> vector<16xf32>
        %add3A_927 = arith.addf %scan3A_827, %unpack3A_925 : vector<16xf32>
        %add3A_928 = arith.addf %scan3A_828, %unpack3A_926 : vector<16xf32>
        %scan3A_929 = arith.constant 1 : i32
        %scan3A_930 = arith.addi %scan3A_824, %scan3A_929 : i32
        %mul3A_931 = arith.constant 8 : i32
        %mul3A_932 = arith.muli %scan3A_930, %mul3A_931 : i32
        %get3A_933 = arith.index_cast %mul3A_932 : i32 to index
        %get3A_934 = arith.constant 0 : index
        %get3A_935 = tpu.vector_load %arg8[%get3A_933, %get3A_934] {strides = array<i32>} : memref<200x64xbf16, #tpu.memory_space<vmem>>, vector<32xbf16>,
        %get3A_936 = arith.index_cast %mul3A_932 : i32 to index
        %get3A_937 = arith.constant 32 : index
        %get3A_938 = tpu.vector_load %arg8[%get3A_936, %get3A_937] {strides = array<i32>} : memref<200x64xbf16, #tpu.memory_space<vmem>>, vector<32xbf16>,
        %add3A_939 = arith.constant 1 : i32
        %add3A_940 = arith.addi %mul3A_932, %add3A_939 : i32
        %get3A_941 = arith.index_cast %add3A_940 : i32 to index
        %get3A_942 = arith.constant 0 : index
        %get3A_943 = tpu.vector_load %arg8[%get3A_941, %get3A_942] {strides = array<i32>} : memref<200x64xbf16, #tpu.memory_space<vmem>>, vector<32xbf16>,
        %add3A_944 = arith.addf %get3A_935, %get3A_943 : vector<32xbf16>
        %add3A_945 = arith.constant 1 : i32
        %add3A_946 = arith.addi %mul3A_932, %add3A_945 : i32
        %get3A_947 = arith.index_cast %add3A_946 : i32 to index
        %get3A_948 = arith.constant 32 : index
        %get3A_949 = tpu.vector_load %arg8[%get3A_947, %get3A_948] {strides = array<i32>} : memref<200x64xbf16, #tpu.memory_space<vmem>>, vector<32xbf16>,
        %add3A_950 = arith.addf %get3A_938, %get3A_949 : vector<32xbf16>
        %add3A_951 = arith.constant 2 : i32
        %add3A_952 = arith.addi %mul3A_932, %add3A_951 : i32
        %get3A_953 = arith.index_cast %add3A_952 : i32 to index
        %get3A_954 = arith.constant 0 : index
        %get3A_955 = tpu.vector_load %arg8[%get3A_953, %get3A_954] {strides = array<i32>} : memref<200x64xbf16, #tpu.memory_space<vmem>>, vector<32xbf16>,
        %add3A_956 = arith.addf %add3A_944, %get3A_955 : vector<32xbf16>
        %add3A_957 = arith.constant 2 : i32
        %add3A_958 = arith.addi %mul3A_932, %add3A_957 : i32
        %get3A_959 = arith.index_cast %add3A_958 : i32 to index
        %get3A_960 = arith.constant 32 : index
        %get3A_961 = tpu.vector_load %arg8[%get3A_959, %get3A_960] {strides = array<i32>} : memref<200x64xbf16, #tpu.memory_space<vmem>>, vector<32xbf16>,
        %add3A_962 = arith.addf %add3A_950, %get3A_961 : vector<32xbf16>
        %add3A_963 = arith.constant 3 : i32
        %add3A_964 = arith.addi %mul3A_932, %add3A_963 : i32
        %get3A_965 = arith.index_cast %add3A_964 : i32 to index
        %get3A_966 = arith.constant 0 : index
        %get3A_967 = tpu.vector_load %arg8[%get3A_965, %get3A_966] {strides = array<i32>} : memref<200x64xbf16, #tpu.memory_space<vmem>>, vector<32xbf16>,
        %add3A_968 = arith.addf %add3A_956, %get3A_967 : vector<32xbf16>
        %add3A_969 = arith.constant 3 : i32
        %add3A_970 = arith.addi %mul3A_932, %add3A_969 : i32
        %get3A_971 = arith.index_cast %add3A_970 : i32 to index
        %get3A_972 = arith.constant 32 : index
        %get3A_973 = tpu.vector_load %arg8[%get3A_971, %get3A_972] {strides = array<i32>} : memref<200x64xbf16, #tpu.memory_space<vmem>>, vector<32xbf16>,
        %add3A_974 = arith.addf %add3A_962, %get3A_973 : vector<32xbf16>
        %add3A_975 = arith.constant 4 : i32
        %add3A_976 = arith.addi %mul3A_932, %add3A_975 : i32
        %get3A_977 = arith.index_cast %add3A_976 : i32 to index
        %get3A_978 = arith.constant 0 : index
        %get3A_979 = tpu.vector_load %arg8[%get3A_977, %get3A_978] {strides = array<i32>} : memref<200x64xbf16, #tpu.memory_space<vmem>>, vector<32xbf16>,
        %add3A_980 = arith.addf %add3A_968, %get3A_979 : vector<32xbf16>
        %add3A_981 = arith.constant 4 : i32
        %add3A_982 = arith.addi %mul3A_932, %add3A_981 : i32
        %get3A_983 = arith.index_cast %add3A_982 : i32 to index
        %get3A_984 = arith.constant 32 : index
        %get3A_985 = tpu.vector_load %arg8[%get3A_983, %get3A_984] {strides = array<i32>} : memref<200x64xbf16, #tpu.memory_space<vmem>>, vector<32xbf16>,
        %add3A_986 = arith.addf %add3A_974, %get3A_985 : vector<32xbf16>
        %add3A_987 = arith.constant 5 : i32
        %add3A_988 = arith.addi %mul3A_932, %add3A_987 : i32
        %get3A_989 = arith.index_cast %add3A_988 : i32 to index
        %get3A_990 = arith.constant 0 : index
        %get3A_991 = tpu.vector_load %arg8[%get3A_989, %get3A_990] {strides = array<i32>} : memref<200x64xbf16, #tpu.memory_space<vmem>>, vector<32xbf16>,
        %add3A_992 = arith.addf %add3A_980, %get3A_991 : vector<32xbf16>
        %add3A_993 = arith.constant 5 : i32
        %add3A_994 = arith.addi %mul3A_932, %add3A_993 : i32
        %get3A_995 = arith.index_cast %add3A_994 : i32 to index
        %get3A_996 = arith.constant 32 : index
        %get3A_997 = tpu.vector_load %arg8[%get3A_995, %get3A_996] {strides = array<i32>} : memref<200x64xbf16, #tpu.memory_space<vmem>>, vector<32xbf16>,
        %add3A_998 = arith.addf %add3A_986, %get3A_997 : vector<32xbf16>
        %add3A_999 = arith.constant 6 : i32
        %add3A_1000 = arith.addi %mul3A_932, %add3A_999 : i32
        %get3A_1001 = arith.index_cast %add3A_1000 : i32 to index
        %get3A_1002 = arith.constant 0 : index
        %get3A_1003 = tpu.vector_load %arg8[%get3A_1001, %get3A_1002] {strides = array<i32>} : memref<200x64xbf16, #tpu.memory_space<vmem>>, vector<32xbf16>,
        %add3A_1004 = arith.addf %add3A_992, %get3A_1003 : vector<32xbf16>
        %add3A_1005 = arith.constant 6 : i32
        %add3A_1006 = arith.addi %mul3A_932, %add3A_1005 : i32
        %get3A_1007 = arith.index_cast %add3A_1006 : i32 to index
        %get3A_1008 = arith.constant 32 : index
        %get3A_1009 = tpu.vector_load %arg8[%get3A_1007, %get3A_1008] {strides = array<i32>} : memref<200x64xbf16, #tpu.memory_space<vmem>>, vector<32xbf16>,
        %add3A_1010 = arith.addf %add3A_998, %get3A_1009 : vector<32xbf16>
        %add3A_1011 = arith.constant 7 : i32
        %add3A_1012 = arith.addi %mul3A_932, %add3A_1011 : i32
        %get3A_1013 = arith.index_cast %add3A_1012 : i32 to index
        %get3A_1014 = arith.constant 0 : index
        %get3A_1015 = tpu.vector_load %arg8[%get3A_1013, %get3A_1014] {strides = array<i32>} : memref<200x64xbf16, #tpu.memory_space<vmem>>, vector<32xbf16>,
        %add3A_1016 = arith.addf %add3A_1004, %get3A_1015 : vector<32xbf16>
        %add3A_1017 = arith.constant 7 : i32
        %add3A_1018 = arith.addi %mul3A_932, %add3A_1017 : i32
        %get3A_1019 = arith.index_cast %add3A_1018 : i32 to index
        %get3A_1020 = arith.constant 32 : index
        %get3A_1021 = tpu.vector_load %arg8[%get3A_1019, %get3A_1020] {strides = array<i32>} : memref<200x64xbf16, #tpu.memory_space<vmem>>, vector<32xbf16>,
        %add3A_1022 = arith.addf %add3A_1010, %get3A_1021 : vector<32xbf16>
        %unpack3A_1023 = tpu.unpack_subelements %add3A_1016, 0 {pack_format = #tpu.pack_format<interleaved>} : vector<32xbf16> -> vector<16xf32>
        %unpack3A_1024 = tpu.unpack_subelements %add3A_1016, 1 {pack_format = #tpu.pack_format<interleaved>} : vector<32xbf16> -> vector<16xf32>
        %add3A_1025 = arith.addf %add3A_923, %unpack3A_1023 : vector<16xf32>
        %add3A_1026 = arith.addf %add3A_924, %unpack3A_1024 : vector<16xf32>
        %unpack3A_1027 = tpu.unpack_subelements %add3A_1022, 0 {pack_format = #tpu.pack_format<interleaved>} : vector<32xbf16> -> vector<16xf32>
        %unpack3A_1028 = tpu.unpack_subelements %add3A_1022, 1 {pack_format = #tpu.pack_format<interleaved>} : vector<32xbf16> -> vector<16xf32>
        %add3A_1029 = arith.addf %add3A_927, %unpack3A_1027 : vector<16xf32>
        %add3A_1030 = arith.addf %add3A_928, %unpack3A_1028 : vector<16xf32>
        scf.yield %add3A_1025, %add3A_1026, %add3A_1029, %add3A_1030 : vector<16xf32>, vector<16xf32>, vector<16xf32>, vector<16xf32>
      }
      %scan3A_649 = arith.constant 24 : i32
      %scan3A_650 = arith.addi %scan3A_644, %scan3A_649 : i32
      %mul3A_651 = arith.constant 8 : i32
      %mul3A_652 = arith.muli %scan3A_650, %mul3A_651 : i32
      %get3A_653 = arith.index_cast %mul3A_652 : i32 to index
      %get3A_654 = arith.constant 0 : index
      %get3A_655 = tpu.vector_load %arg8[%get3A_653, %get3A_654] {strides = array<i32>} : memref<200x64xbf16, #tpu.memory_space<vmem>>, vector<32xbf16>,
      %get3A_656 = arith.index_cast %mul3A_652 : i32 to index
      %get3A_657 = arith.constant 32 : index
      %get3A_658 = tpu.vector_load %arg8[%get3A_656, %get3A_657] {strides = array<i32>} : memref<200x64xbf16, #tpu.memory_space<vmem>>, vector<32xbf16>,
      %add3A_659 = arith.constant 1 : i32
      %add3A_660 = arith.addi %mul3A_652, %add3A_659 : i32
      %get3A_661 = arith.index_cast %add3A_660 : i32 to index
      %get3A_662 = arith.constant 0 : index
      %get3A_663 = tpu.vector_load %arg8[%get3A_661, %get3A_662] {strides = array<i32>} : memref<200x64xbf16, #tpu.memory_space<vmem>>, vector<32xbf16>,
      %add3A_664 = arith.addf %get3A_655, %get3A_663 : vector<32xbf16>
      %add3A_665 = arith.constant 1 : i32
      %add3A_666 = arith.addi %mul3A_652, %add3A_665 : i32
      %get3A_667 = arith.index_cast %add3A_666 : i32 to index
      %get3A_668 = arith.constant 32 : index
      %get3A_669 = tpu.vector_load %arg8[%get3A_667, %get3A_668] {strides = array<i32>} : memref<200x64xbf16, #tpu.memory_space<vmem>>, vector<32xbf16>,
      %add3A_670 = arith.addf %get3A_658, %get3A_669 : vector<32xbf16>
      %add3A_671 = arith.constant 2 : i32
      %add3A_672 = arith.addi %mul3A_652, %add3A_671 : i32
      %get3A_673 = arith.index_cast %add3A_672 : i32 to index
      %get3A_674 = arith.constant 0 : index
      %get3A_675 = tpu.vector_load %arg8[%get3A_673, %get3A_674] {strides = array<i32>} : memref<200x64xbf16, #tpu.memory_space<vmem>>, vector<32xbf16>,
      %add3A_676 = arith.addf %add3A_664, %get3A_675 : vector<32xbf16>
      %add3A_677 = arith.constant 2 : i32
      %add3A_678 = arith.addi %mul3A_652, %add3A_677 : i32
      %get3A_679 = arith.index_cast %add3A_678 : i32 to index
      %get3A_680 = arith.constant 32 : index
      %get3A_681 = tpu.vector_load %arg8[%get3A_679, %get3A_680] {strides = array<i32>} : memref<200x64xbf16, #tpu.memory_space<vmem>>, vector<32xbf16>,
      %add3A_682 = arith.addf %add3A_670, %get3A_681 : vector<32xbf16>
      %add3A_683 = arith.constant 3 : i32
      %add3A_684 = arith.addi %mul3A_652, %add3A_683 : i32
      %get3A_685 = arith.index_cast %add3A_684 : i32 to index
      %get3A_686 = arith.constant 0 : index
      %get3A_687 = tpu.vector_load %arg8[%get3A_685, %get3A_686] {strides = array<i32>} : memref<200x64xbf16, #tpu.memory_space<vmem>>, vector<32xbf16>,
      %add3A_688 = arith.addf %add3A_676, %get3A_687 : vector<32xbf16>
      %add3A_689 = arith.constant 3 : i32
      %add3A_690 = arith.addi %mul3A_652, %add3A_689 : i32
      %get3A_691 = arith.index_cast %add3A_690 : i32 to index
      %get3A_692 = arith.constant 32 : index
      %get3A_693 = tpu.vector_load %arg8[%get3A_691, %get3A_692] {strides = array<i32>} : memref<200x64xbf16, #tpu.memory_space<vmem>>, vector<32xbf16>,
      %add3A_694 = arith.addf %add3A_682, %get3A_693 : vector<32xbf16>
      %add3A_695 = arith.constant 4 : i32
      %add3A_696 = arith.addi %mul3A_652, %add3A_695 : i32
      %get3A_697 = arith.index_cast %add3A_696 : i32 to index
      %get3A_698 = arith.constant 0 : index
      %get3A_699 = tpu.vector_load %arg8[%get3A_697, %get3A_698] {strides = array<i32>} : memref<200x64xbf16, #tpu.memory_space<vmem>>, vector<32xbf16>,
      %add3A_700 = arith.addf %add3A_688, %get3A_699 : vector<32xbf16>
      %add3A_701 = arith.constant 4 : i32
      %add3A_702 = arith.addi %mul3A_652, %add3A_701 : i32
      %get3A_703 = arith.index_cast %add3A_702 : i32 to index
      %get3A_704 = arith.constant 32 : index
      %get3A_705 = tpu.vector_load %arg8[%get3A_703, %get3A_704] {strides = array<i32>} : memref<200x64xbf16, #tpu.memory_space<vmem>>, vector<32xbf16>,
      %add3A_706 = arith.addf %add3A_694, %get3A_705 : vector<32xbf16>
      %add3A_707 = arith.constant 5 : i32
      %add3A_708 = arith.addi %mul3A_652, %add3A_707 : i32
      %get3A_709 = arith.index_cast %add3A_708 : i32 to index
      %get3A_710 = arith.constant 0 : index
      %get3A_711 = tpu.vector_load %arg8[%get3A_709, %get3A_710] {strides = array<i32>} : memref<200x64xbf16, #tpu.memory_space<vmem>>, vector<32xbf16>,
      %add3A_712 = arith.addf %add3A_700, %get3A_711 : vector<32xbf16>
      %add3A_713 = arith.constant 5 : i32
      %add3A_714 = arith.addi %mul3A_652, %add3A_713 : i32
      %get3A_715 = arith.index_cast %add3A_714 : i32 to index
      %get3A_716 = arith.constant 32 : index
      %get3A_717 = tpu.vector_load %arg8[%get3A_715, %get3A_716] {strides = array<i32>} : memref<200x64xbf16, #tpu.memory_space<vmem>>, vector<32xbf16>,
      %add3A_718 = arith.addf %add3A_706, %get3A_717 : vector<32xbf16>
      %add3A_719 = arith.constant 6 : i32
      %add3A_720 = arith.addi %mul3A_652, %add3A_719 : i32
      %get3A_721 = arith.index_cast %add3A_720 : i32 to index
      %get3A_722 = arith.constant 0 : index
      %get3A_723 = tpu.vector_load %arg8[%get3A_721, %get3A_722] {strides = array<i32>} : memref<200x64xbf16, #tpu.memory_space<vmem>>, vector<32xbf16>,
      %add3A_724 = arith.addf %add3A_712, %get3A_723 : vector<32xbf16>
      %add3A_725 = arith.constant 6 : i32
      %add3A_726 = arith.addi %mul3A_652, %add3A_725 : i32
      %get3A_727 = arith.index_cast %add3A_726 : i32 to index
      %get3A_728 = arith.constant 32 : index
      %get3A_729 = tpu.vector_load %arg8[%get3A_727, %get3A_728] {strides = array<i32>} : memref<200x64xbf16, #tpu.memory_space<vmem>>, vector<32xbf16>,
      %add3A_730 = arith.addf %add3A_718, %get3A_729 : vector<32xbf16>
      %add3A_731 = arith.constant 7 : i32
      %add3A_732 = arith.addi %mul3A_652, %add3A_731 : i32
      %get3A_733 = arith.index_cast %add3A_732 : i32 to index
      %get3A_734 = arith.constant 0 : index
      %get3A_735 = tpu.vector_load %arg8[%get3A_733, %get3A_734] {strides = array<i32>} : memref<200x64xbf16, #tpu.memory_space<vmem>>, vector<32xbf16>,
      %add3A_736 = arith.addf %add3A_724, %get3A_735 : vector<32xbf16>
      %add3A_737 = arith.constant 7 : i32
      %add3A_738 = arith.addi %mul3A_652, %add3A_737 : i32
      %get3A_739 = arith.index_cast %add3A_738 : i32 to index
      %get3A_740 = arith.constant 32 : index
      %get3A_741 = tpu.vector_load %arg8[%get3A_739, %get3A_740] {strides = array<i32>} : memref<200x64xbf16, #tpu.memory_space<vmem>>, vector<32xbf16>,
      %add3A_742 = arith.addf %add3A_730, %get3A_741 : vector<32xbf16>
      %unpack3A_743 = tpu.unpack_subelements %add3A_736, 0 {pack_format = #tpu.pack_format<interleaved>} : vector<32xbf16> -> vector<16xf32>
      %unpack3A_744 = tpu.unpack_subelements %add3A_736, 1 {pack_format = #tpu.pack_format<interleaved>} : vector<32xbf16> -> vector<16xf32>
      %add3A_745 = arith.addf %scan3A_648#0, %unpack3A_743 : vector<16xf32>
      %add3A_746 = arith.addf %scan3A_648#1, %unpack3A_744 : vector<16xf32>
      %unpack3A_747 = tpu.unpack_subelements %add3A_742, 0 {pack_format = #tpu.pack_format<interleaved>} : vector<32xbf16> -> vector<16xf32>
      %unpack3A_748 = tpu.unpack_subelements %add3A_742, 1 {pack_format = #tpu.pack_format<interleaved>} : vector<32xbf16> -> vector<16xf32>
      %add3A_749 = arith.addf %scan3A_648#2, %unpack3A_747 : vector<16xf32>
      %add3A_750 = arith.addf %scan3A_648#3, %unpack3A_748 : vector<16xf32>
      %scan3A_751 = arith.constant 25 : i32
      %get3A_752 = arith.index_cast %add3A_635 : i32 to index
      %get3A_753 = tpu.vector_load %arg9[%get3A_752] {strides = array<i32>} : memref<144xi32, #tpu.memory_space<vmem>>, vector<16xi32>,
      %convert_element_type3A_754 = arith.sitofp %get3A_753 : vector<16xi32> to vector<16xf32>
      %broadcast_in_dim3A_755 = arith.constant 1.000000e+00 : f32
      %broadcast_in_dim3A_756 = vector.broadcast %broadcast_in_dim3A_755 : f32 to vector<16xf32>
      %div3A_757 = arith.divf %broadcast_in_dim3A_756, %convert_element_type3A_754 : vector<16xf32>
      %slice3A_758 = vector.extract_strided_slice %div3A_757 {offsets = [0], sizes = [1], strides = [1]} : vector<16xf32> to vector<1xf32>
      %squeeze3A_759 = vector.extract %slice3A_758[0] : f32 from vector<1xf32>
      %mul3A_760 = arith.constant 64 : i32
      %mul3A_761 = arith.muli %add3A_635, %mul3A_760 : i32
      %iota3A_762 = tpu.iota {dimensions = array<i32: 0>} : vector<16xi32>
      %mul3A_763 = arith.constant 2 : i32
      %mul3A_764 = vector.broadcast %mul3A_763 : i32 to vector<16xi32>
      %mul3A_765 = arith.muli %mul3A_764, %iota3A_762 : vector<16xi32>
      %add3A_766 = vector.broadcast %mul3A_761 : i32 to vector<16xi32>
      %add3A_767 = arith.addi %add3A_766, %mul3A_765 : vector<16xi32>
      %add3A_768 = arith.constant 0 : i32
      %add3A_769 = vector.broadcast %add3A_768 : i32 to vector<16xi32>
      %add3A_770 = arith.addi %add3A_767, %add3A_769 : vector<16xi32>
      %mul3A_771 = vector.broadcast %squeeze3A_759 : f32 to vector<16xf32>
      %mul3A_772 = arith.mulf %add3A_745, %mul3A_771 : vector<16xf32>
      tpu.vector_store_idx %arg10[%add3A_770], %mul3A_772 : memref<8192xf32, #tpu.memory_space<vmem>>[vector<16xi32>], vector<16xf32>,
      %add3A_773 = vector.broadcast %mul3A_761 : i32 to vector<16xi32>
      %add3A_774 = arith.addi %add3A_773, %mul3A_765 : vector<16xi32>
      %add3A_775 = arith.constant 0 : i32
      %add3A_776 = vector.broadcast %add3A_775 : i32 to vector<16xi32>
      %add3A_777 = arith.addi %add3A_774, %add3A_776 : vector<16xi32>
      %add3A_778 = arith.constant 1 : i32
      %add3A_779 = vector.broadcast %add3A_778 : i32 to vector<16xi32>
      %add3A_780 = arith.addi %add3A_777, %add3A_779 : vector<16xi32>
      %mul3A_781 = vector.broadcast %squeeze3A_759 : f32 to vector<16xf32>
      %mul3A_782 = arith.mulf %add3A_746, %mul3A_781 : vector<16xf32>
      tpu.vector_store_idx %arg10[%add3A_780], %mul3A_782 : memref<8192xf32, #tpu.memory_space<vmem>>[vector<16xi32>], vector<16xf32>,
      %add3A_783 = vector.broadcast %mul3A_761 : i32 to vector<16xi32>
      %add3A_784 = arith.addi %add3A_783, %mul3A_765 : vector<16xi32>
      %add3A_785 = arith.constant 32 : i32
      %add3A_786 = vector.broadcast %add3A_785 : i32 to vector<16xi32>
      %add3A_787 = arith.addi %add3A_784, %add3A_786 : vector<16xi32>
      %mul3A_788 = vector.broadcast %squeeze3A_759 : f32 to vector<16xf32>
      %mul3A_789 = arith.mulf %add3A_749, %mul3A_788 : vector<16xf32>
      tpu.vector_store_idx %arg10[%add3A_787], %mul3A_789 : memref<8192xf32, #tpu.memory_space<vmem>>[vector<16xi32>], vector<16xf32>,
      %add3A_790 = vector.broadcast %mul3A_761 : i32 to vector<16xi32>
      %add3A_791 = arith.addi %add3A_790, %mul3A_765 : vector<16xi32>
      %add3A_792 = arith.constant 32 : i32
      %add3A_793 = vector.broadcast %add3A_792 : i32 to vector<16xi32>
      %add3A_794 = arith.addi %add3A_791, %add3A_793 : vector<16xi32>
      %add3A_795 = arith.constant 1 : i32
      %add3A_796 = vector.broadcast %add3A_795 : i32 to vector<16xi32>
      %add3A_797 = arith.addi %add3A_794, %add3A_796 : vector<16xi32>
      %mul3A_798 = vector.broadcast %squeeze3A_759 : f32 to vector<16xf32>
      %mul3A_799 = arith.mulf %add3A_750, %mul3A_798 : vector<16xf32>
      tpu.vector_store_idx %arg10[%add3A_797], %mul3A_799 : memref<8192xf32, #tpu.memory_space<vmem>>[vector<16xi32>], vector<16xf32>,
      %add3A_800 = arith.constant 3 : i32
      %add3A_801 = arith.addi %mul3A_399, %add3A_800 : i32
      %mul3A_802 = arith.constant 200 : i32
      %mul3A_803 = arith.muli %add3A_801, %mul3A_802 : i32
      %add3A_804 = arith.constant 0 : i32
      %add3A_805 = arith.addi %mul3A_803, %add3A_804 : i32
      %dma_start3A_806 = arith.constant 0 : i32
      %dma_start3A_807 = arith.constant 0 : i32
      %dma_start3A_808 = tpu.memref_slice %arg8[%dma_start3A_806, %dma_start3A_807] : memref<200x64xbf16, #tpu.memory_space<vmem>> -> memref<104x64xbf16, #tpu.memory_space<vmem>>
      %dma_start3A_809 = tpu.memref_slice %arg6[%add3A_805] : memref<25600xi32, #tpu.memory_space<vmem>> -> memref<104xi32, #tpu.memory_space<vmem>>
      %dma_start3A_810 = arith.constant 0 : i32
      %dma_start3A_811 = arith.constant 0 : i32
      %dma_start3A_812 = tpu.memref_slice %arg2[%dma_start3A_810, %dma_start3A_811] : memref<100000x64xbf16, #tpu.memory_space<hbm>> -> memref<100000x64xbf16, #tpu.memory_space<hbm>>
      tpu.enqueue_indirect_dma source(%dma_start3A_812 : memref<100000x64xbf16, #tpu.memory_space<hbm>>) target(%dma_start3A_808 : memref<104x64xbf16, #tpu.memory_space<vmem>>) offsets(%dma_start3A_809 : memref<104xi32, #tpu.memory_space<vmem>>) semaphore(%arg12 : memref<!tpu.dma_semaphore, #tpu.memory_space<semaphore_mem>>)
      %mul3A_813 = arith.constant 200 : i32
      %mul3A_814 = arith.muli %add3A_801, %mul3A_813 : i32
      %add3A_815 = arith.constant 104 : i32
      %add3A_816 = arith.addi %mul3A_814, %add3A_815 : i32
      %dma_start3A_817 = arith.constant 104 : i32
      %dma_start3A_818 = arith.constant 0 : i32
      %dma_start3A_819 = tpu.memref_slice %arg8[%dma_start3A_817, %dma_start3A_818] : memref<200x64xbf16, #tpu.memory_space<vmem>> -> memref<96x64xbf16, #tpu.memory_space<vmem>>
      %dma_start3A_820 = tpu.memref_slice %arg6[%add3A_816] : memref<25600xi32, #tpu.memory_space<vmem>> -> memref<96xi32, #tpu.memory_space<vmem>>
      %dma_start3A_821 = arith.constant 0 : i32
      %dma_start3A_822 = arith.constant 0 : i32
      %dma_start3A_823 = tpu.memref_slice %arg2[%dma_start3A_821, %dma_start3A_822] : memref<100000x64xbf16, #tpu.memory_space<hbm>> -> memref<100000x64xbf16, #tpu.memory_space<hbm>>
      tpu.enqueue_indirect_dma source(%dma_start3A_823 : memref<100000x64xbf16, #tpu.memory_space<hbm>>) target(%dma_start3A_819 : memref<96x64xbf16, #tpu.memory_space<vmem>>) offsets(%dma_start3A_820 : memref<96xi32, #tpu.memory_space<vmem>>) semaphore(%arg12 : memref<!tpu.dma_semaphore, #tpu.memory_space<semaphore_mem>>)
    }
    %scan3A_39 = arith.constant 63 : i32
    %dma_wait3A = arith.constant 0 : i32
    %dma_wait3A_40 = arith.constant 0 : i32
    %dma_wait3A_41 = tpu.memref_slice %arg7[%dma_wait3A, %dma_wait3A_40] : memref<200x64xbf16, #tpu.memory_space<vmem>> -> memref<104x64xbf16, #tpu.memory_space<vmem>>
    %dma_wait3A_42 = arith.constant 25200 : i32
    %dma_wait3A_43 = tpu.memref_slice %arg6[%dma_wait3A_42] : memref<25600xi32, #tpu.memory_space<vmem>> -> memref<104xi32, #tpu.memory_space<vmem>>
    %dma_wait3A_44 = arith.constant 0 : i32
    %dma_wait3A_45 = arith.constant 0 : i32
    %dma_wait3A_46 = tpu.memref_slice %arg2[%dma_wait3A_44, %dma_wait3A_45] : memref<100000x64xbf16, #tpu.memory_space<hbm>> -> memref<100000x64xbf16, #tpu.memory_space<hbm>>
    tpu.wait_indirect_dma semaphore(%arg11 : memref<!tpu.dma_semaphore, #tpu.memory_space<semaphore_mem>>) src(%dma_wait3A_46 : memref<100000x64xbf16, #tpu.memory_space<hbm>>) dst(%dma_wait3A_41 : memref<104x64xbf16, #tpu.memory_space<vmem>>)
    %dma_wait3A_47 = arith.constant 104 : i32
    %dma_wait3A_48 = arith.constant 0 : i32
    %dma_wait3A_49 = tpu.memref_slice %arg7[%dma_wait3A_47, %dma_wait3A_48] : memref<200x64xbf16, #tpu.memory_space<vmem>> -> memref<96x64xbf16, #tpu.memory_space<vmem>>
    %dma_wait3A_50 = arith.constant 25304 : i32
    %dma_wait3A_51 = tpu.memref_slice %arg6[%dma_wait3A_50] : memref<25600xi32, #tpu.memory_space<vmem>> -> memref<96xi32, #tpu.memory_space<vmem>>
    %dma_wait3A_52 = arith.constant 0 : i32
    %dma_wait3A_53 = arith.constant 0 : i32
    %dma_wait3A_54 = tpu.memref_slice %arg2[%dma_wait3A_52, %dma_wait3A_53] : memref<100000x64xbf16, #tpu.memory_space<hbm>> -> memref<100000x64xbf16, #tpu.memory_space<hbm>>
    tpu.wait_indirect_dma semaphore(%arg11 : memref<!tpu.dma_semaphore, #tpu.memory_space<semaphore_mem>>) src(%dma_wait3A_54 : memref<100000x64xbf16, #tpu.memory_space<hbm>>) dst(%dma_wait3A_49 : memref<96x64xbf16, #tpu.memory_space<vmem>>)
    %broadcast_in_dim3A = arith.constant 0.000000e+00 : f32
    %broadcast_in_dim3A_55 = vector.broadcast %broadcast_in_dim3A : f32 to vector<16xf32>
    %broadcast_in_dim3A_56 = arith.constant 0.000000e+00 : f32
    %broadcast_in_dim3A_57 = vector.broadcast %broadcast_in_dim3A_56 : f32 to vector<16xf32>
    %broadcast_in_dim3A_58 = arith.constant 0.000000e+00 : f32
    %broadcast_in_dim3A_59 = vector.broadcast %broadcast_in_dim3A_58 : f32 to vector<16xf32>
    %broadcast_in_dim3A_60 = arith.constant 0.000000e+00 : f32
    %broadcast_in_dim3A_61 = vector.broadcast %broadcast_in_dim3A_60 : f32 to vector<16xf32>
    %scan3A_62 = arith.constant 0 : i32
    %scan3A_63 = arith.constant 24 : i32
    %scan3A_64 = arith.addi %scan3A_62, %scan3A_63 : i32
    %scan3A_65 = arith.constant 2 : i32
    %scan3A_66:4 = scf.for %scan3A_397 = %scan3A_62 to %scan3A_64 step %scan3A_65 iter_args(%scan3A_398 = %broadcast_in_dim3A_55, %scan3A_399 = %broadcast_in_dim3A_57, %scan3A_400 = %broadcast_in_dim3A_59, %scan3A_401 = %broadcast_in_dim3A_61) -> (vector<16xf32>, vector<16xf32>, vector<16xf32>, vector<16xf32>)  : i32 {
      %mul3A_402 = arith.constant 8 : i32
      %mul3A_403 = arith.muli %scan3A_397, %mul3A_402 : i32
      %get3A_404 = arith.index_cast %mul3A_403 : i32 to index
      %get3A_405 = arith.constant 0 : index
      %get3A_406 = tpu.vector_load %arg7[%get3A_404, %get3A_405] {strides = array<i32>} : memref<200x64xbf16, #tpu.memory_space<vmem>>, vector<32xbf16>,
      %get3A_407 = arith.index_cast %mul3A_403 : i32 to index
      %get3A_408 = arith.constant 32 : index
      %get3A_409 = tpu.vector_load %arg7[%get3A_407, %get3A_408] {strides = array<i32>} : memref<200x64xbf16, #tpu.memory_space<vmem>>, vector<32xbf16>,
      %add3A_410 = arith.constant 1 : i32
      %add3A_411 = arith.addi %mul3A_403, %add3A_410 : i32
      %get3A_412 = arith.index_cast %add3A_411 : i32 to index
      %get3A_413 = arith.constant 0 : index
      %get3A_414 = tpu.vector_load %arg7[%get3A_412, %get3A_413] {strides = array<i32>} : memref<200x64xbf16, #tpu.memory_space<vmem>>, vector<32xbf16>,
      %add3A_415 = arith.addf %get3A_406, %get3A_414 : vector<32xbf16>
      %add3A_416 = arith.constant 1 : i32
      %add3A_417 = arith.addi %mul3A_403, %add3A_416 : i32
      %get3A_418 = arith.index_cast %add3A_417 : i32 to index
      %get3A_419 = arith.constant 32 : index
      %get3A_420 = tpu.vector_load %arg7[%get3A_418, %get3A_419] {strides = array<i32>} : memref<200x64xbf16, #tpu.memory_space<vmem>>, vector<32xbf16>,
      %add3A_421 = arith.addf %get3A_409, %get3A_420 : vector<32xbf16>
      %add3A_422 = arith.constant 2 : i32
      %add3A_423 = arith.addi %mul3A_403, %add3A_422 : i32
      %get3A_424 = arith.index_cast %add3A_423 : i32 to index
      %get3A_425 = arith.constant 0 : index
      %get3A_426 = tpu.vector_load %arg7[%get3A_424, %get3A_425] {strides = array<i32>} : memref<200x64xbf16, #tpu.memory_space<vmem>>, vector<32xbf16>,
      %add3A_427 = arith.addf %add3A_415, %get3A_426 : vector<32xbf16>
      %add3A_428 = arith.constant 2 : i32
      %add3A_429 = arith.addi %mul3A_403, %add3A_428 : i32
      %get3A_430 = arith.index_cast %add3A_429 : i32 to index
      %get3A_431 = arith.constant 32 : index
      %get3A_432 = tpu.vector_load %arg7[%get3A_430, %get3A_431] {strides = array<i32>} : memref<200x64xbf16, #tpu.memory_space<vmem>>, vector<32xbf16>,
      %add3A_433 = arith.addf %add3A_421, %get3A_432 : vector<32xbf16>
      %add3A_434 = arith.constant 3 : i32
      %add3A_435 = arith.addi %mul3A_403, %add3A_434 : i32
      %get3A_436 = arith.index_cast %add3A_435 : i32 to index
      %get3A_437 = arith.constant 0 : index
      %get3A_438 = tpu.vector_load %arg7[%get3A_436, %get3A_437] {strides = array<i32>} : memref<200x64xbf16, #tpu.memory_space<vmem>>, vector<32xbf16>,
      %add3A_439 = arith.addf %add3A_427, %get3A_438 : vector<32xbf16>
      %add3A_440 = arith.constant 3 : i32
      %add3A_441 = arith.addi %mul3A_403, %add3A_440 : i32
      %get3A_442 = arith.index_cast %add3A_441 : i32 to index
      %get3A_443 = arith.constant 32 : index
      %get3A_444 = tpu.vector_load %arg7[%get3A_442, %get3A_443] {strides = array<i32>} : memref<200x64xbf16, #tpu.memory_space<vmem>>, vector<32xbf16>,
      %add3A_445 = arith.addf %add3A_433, %get3A_444 : vector<32xbf16>
      %add3A_446 = arith.constant 4 : i32
      %add3A_447 = arith.addi %mul3A_403, %add3A_446 : i32
      %get3A_448 = arith.index_cast %add3A_447 : i32 to index
      %get3A_449 = arith.constant 0 : index
      %get3A_450 = tpu.vector_load %arg7[%get3A_448, %get3A_449] {strides = array<i32>} : memref<200x64xbf16, #tpu.memory_space<vmem>>, vector<32xbf16>,
      %add3A_451 = arith.addf %add3A_439, %get3A_450 : vector<32xbf16>
      %add3A_452 = arith.constant 4 : i32
      %add3A_453 = arith.addi %mul3A_403, %add3A_452 : i32
      %get3A_454 = arith.index_cast %add3A_453 : i32 to index
      %get3A_455 = arith.constant 32 : index
      %get3A_456 = tpu.vector_load %arg7[%get3A_454, %get3A_455] {strides = array<i32>} : memref<200x64xbf16, #tpu.memory_space<vmem>>, vector<32xbf16>,
      %add3A_457 = arith.addf %add3A_445, %get3A_456 : vector<32xbf16>
      %add3A_458 = arith.constant 5 : i32
      %add3A_459 = arith.addi %mul3A_403, %add3A_458 : i32
      %get3A_460 = arith.index_cast %add3A_459 : i32 to index
      %get3A_461 = arith.constant 0 : index
      %get3A_462 = tpu.vector_load %arg7[%get3A_460, %get3A_461] {strides = array<i32>} : memref<200x64xbf16, #tpu.memory_space<vmem>>, vector<32xbf16>,
      %add3A_463 = arith.addf %add3A_451, %get3A_462 : vector<32xbf16>
      %add3A_464 = arith.constant 5 : i32
      %add3A_465 = arith.addi %mul3A_403, %add3A_464 : i32
      %get3A_466 = arith.index_cast %add3A_465 : i32 to index
      %get3A_467 = arith.constant 32 : index
      %get3A_468 = tpu.vector_load %arg7[%get3A_466, %get3A_467] {strides = array<i32>} : memref<200x64xbf16, #tpu.memory_space<vmem>>, vector<32xbf16>,
      %add3A_469 = arith.addf %add3A_457, %get3A_468 : vector<32xbf16>
      %add3A_470 = arith.constant 6 : i32
      %add3A_471 = arith.addi %mul3A_403, %add3A_470 : i32
      %get3A_472 = arith.index_cast %add3A_471 : i32 to index
      %get3A_473 = arith.constant 0 : index
      %get3A_474 = tpu.vector_load %arg7[%get3A_472, %get3A_473] {strides = array<i32>} : memref<200x64xbf16, #tpu.memory_space<vmem>>, vector<32xbf16>,
      %add3A_475 = arith.addf %add3A_463, %get3A_474 : vector<32xbf16>
      %add3A_476 = arith.constant 6 : i32
      %add3A_477 = arith.addi %mul3A_403, %add3A_476 : i32
      %get3A_478 = arith.index_cast %add3A_477 : i32 to index
      %get3A_479 = arith.constant 32 : index
      %get3A_480 = tpu.vector_load %arg7[%get3A_478, %get3A_479] {strides = array<i32>} : memref<200x64xbf16, #tpu.memory_space<vmem>>, vector<32xbf16>,
      %add3A_481 = arith.addf %add3A_469, %get3A_480 : vector<32xbf16>
      %add3A_482 = arith.constant 7 : i32
      %add3A_483 = arith.addi %mul3A_403, %add3A_482 : i32
      %get3A_484 = arith.index_cast %add3A_483 : i32 to index
      %get3A_485 = arith.constant 0 : index
      %get3A_486 = tpu.vector_load %arg7[%get3A_484, %get3A_485] {strides = array<i32>} : memref<200x64xbf16, #tpu.memory_space<vmem>>, vector<32xbf16>,
      %add3A_487 = arith.addf %add3A_475, %get3A_486 : vector<32xbf16>
      %add3A_488 = arith.constant 7 : i32
      %add3A_489 = arith.addi %mul3A_403, %add3A_488 : i32
      %get3A_490 = arith.index_cast %add3A_489 : i32 to index
      %get3A_491 = arith.constant 32 : index
      %get3A_492 = tpu.vector_load %arg7[%get3A_490, %get3A_491] {strides = array<i32>} : memref<200x64xbf16, #tpu.memory_space<vmem>>, vector<32xbf16>,
      %add3A_493 = arith.addf %add3A_481, %get3A_492 : vector<32xbf16>
      %unpack3A_494 = tpu.unpack_subelements %add3A_487, 0 {pack_format = #tpu.pack_format<interleaved>} : vector<32xbf16> -> vector<16xf32>
      %unpack3A_495 = tpu.unpack_subelements %add3A_487, 1 {pack_format = #tpu.pack_format<interleaved>} : vector<32xbf16> -> vector<16xf32>
      %add3A_496 = arith.addf %scan3A_398, %unpack3A_494 : vector<16xf32>
      %add3A_497 = arith.addf %scan3A_399, %unpack3A_495 : vector<16xf32>
      %unpack3A_498 = tpu.unpack_subelements %add3A_493, 0 {pack_format = #tpu.pack_format<interleaved>} : vector<32xbf16> -> vector<16xf32>
      %unpack3A_499 = tpu.unpack_subelements %add3A_493, 1 {pack_format = #tpu.pack_format<interleaved>} : vector<32xbf16> -> vector<16xf32>
      %add3A_500 = arith.addf %scan3A_400, %unpack3A_498 : vector<16xf32>
      %add3A_501 = arith.addf %scan3A_401, %unpack3A_499 : vector<16xf32>
      %scan3A_502 = arith.constant 1 : i32
      %scan3A_503 = arith.addi %scan3A_397, %scan3A_502 : i32
      %mul3A_504 = arith.constant 8 : i32
      %mul3A_505 = arith.muli %scan3A_503, %mul3A_504 : i32
      %get3A_506 = arith.index_cast %mul3A_505 : i32 to index
      %get3A_507 = arith.constant 0 : index
      %get3A_508 = tpu.vector_load %arg7[%get3A_506, %get3A_507] {strides = array<i32>} : memref<200x64xbf16, #tpu.memory_space<vmem>>, vector<32xbf16>,
      %get3A_509 = arith.index_cast %mul3A_505 : i32 to index
      %get3A_510 = arith.constant 32 : index
      %get3A_511 = tpu.vector_load %arg7[%get3A_509, %get3A_510] {strides = array<i32>} : memref<200x64xbf16, #tpu.memory_space<vmem>>, vector<32xbf16>,
      %add3A_512 = arith.constant 1 : i32
      %add3A_513 = arith.addi %mul3A_505, %add3A_512 : i32
      %get3A_514 = arith.index_cast %add3A_513 : i32 to index
      %get3A_515 = arith.constant 0 : index
      %get3A_516 = tpu.vector_load %arg7[%get3A_514, %get3A_515] {strides = array<i32>} : memref<200x64xbf16, #tpu.memory_space<vmem>>, vector<32xbf16>,
      %add3A_517 = arith.addf %get3A_508, %get3A_516 : vector<32xbf16>
      %add3A_518 = arith.constant 1 : i32
      %add3A_519 = arith.addi %mul3A_505, %add3A_518 : i32
      %get3A_520 = arith.index_cast %add3A_519 : i32 to index
      %get3A_521 = arith.constant 32 : index
      %get3A_522 = tpu.vector_load %arg7[%get3A_520, %get3A_521] {strides = array<i32>} : memref<200x64xbf16, #tpu.memory_space<vmem>>, vector<32xbf16>,
      %add3A_523 = arith.addf %get3A_511, %get3A_522 : vector<32xbf16>
      %add3A_524 = arith.constant 2 : i32
      %add3A_525 = arith.addi %mul3A_505, %add3A_524 : i32
      %get3A_526 = arith.index_cast %add3A_525 : i32 to index
      %get3A_527 = arith.constant 0 : index
      %get3A_528 = tpu.vector_load %arg7[%get3A_526, %get3A_527] {strides = array<i32>} : memref<200x64xbf16, #tpu.memory_space<vmem>>, vector<32xbf16>,
      %add3A_529 = arith.addf %add3A_517, %get3A_528 : vector<32xbf16>
      %add3A_530 = arith.constant 2 : i32
      %add3A_531 = arith.addi %mul3A_505, %add3A_530 : i32
      %get3A_532 = arith.index_cast %add3A_531 : i32 to index
      %get3A_533 = arith.constant 32 : index
      %get3A_534 = tpu.vector_load %arg7[%get3A_532, %get3A_533] {strides = array<i32>} : memref<200x64xbf16, #tpu.memory_space<vmem>>, vector<32xbf16>,
      %add3A_535 = arith.addf %add3A_523, %get3A_534 : vector<32xbf16>
      %add3A_536 = arith.constant 3 : i32
      %add3A_537 = arith.addi %mul3A_505, %add3A_536 : i32
      %get3A_538 = arith.index_cast %add3A_537 : i32 to index
      %get3A_539 = arith.constant 0 : index
      %get3A_540 = tpu.vector_load %arg7[%get3A_538, %get3A_539] {strides = array<i32>} : memref<200x64xbf16, #tpu.memory_space<vmem>>, vector<32xbf16>,
      %add3A_541 = arith.addf %add3A_529, %get3A_540 : vector<32xbf16>
      %add3A_542 = arith.constant 3 : i32
      %add3A_543 = arith.addi %mul3A_505, %add3A_542 : i32
      %get3A_544 = arith.index_cast %add3A_543 : i32 to index
      %get3A_545 = arith.constant 32 : index
      %get3A_546 = tpu.vector_load %arg7[%get3A_544, %get3A_545] {strides = array<i32>} : memref<200x64xbf16, #tpu.memory_space<vmem>>, vector<32xbf16>,
      %add3A_547 = arith.addf %add3A_535, %get3A_546 : vector<32xbf16>
      %add3A_548 = arith.constant 4 : i32
      %add3A_549 = arith.addi %mul3A_505, %add3A_548 : i32
      %get3A_550 = arith.index_cast %add3A_549 : i32 to index
      %get3A_551 = arith.constant 0 : index
      %get3A_552 = tpu.vector_load %arg7[%get3A_550, %get3A_551] {strides = array<i32>} : memref<200x64xbf16, #tpu.memory_space<vmem>>, vector<32xbf16>,
      %add3A_553 = arith.addf %add3A_541, %get3A_552 : vector<32xbf16>
      %add3A_554 = arith.constant 4 : i32
      %add3A_555 = arith.addi %mul3A_505, %add3A_554 : i32
      %get3A_556 = arith.index_cast %add3A_555 : i32 to index
      %get3A_557 = arith.constant 32 : index
      %get3A_558 = tpu.vector_load %arg7[%get3A_556, %get3A_557] {strides = array<i32>} : memref<200x64xbf16, #tpu.memory_space<vmem>>, vector<32xbf16>,
      %add3A_559 = arith.addf %add3A_547, %get3A_558 : vector<32xbf16>
      %add3A_560 = arith.constant 5 : i32
      %add3A_561 = arith.addi %mul3A_505, %add3A_560 : i32
      %get3A_562 = arith.index_cast %add3A_561 : i32 to index
      %get3A_563 = arith.constant 0 : index
      %get3A_564 = tpu.vector_load %arg7[%get3A_562, %get3A_563] {strides = array<i32>} : memref<200x64xbf16, #tpu.memory_space<vmem>>, vector<32xbf16>,
      %add3A_565 = arith.addf %add3A_553, %get3A_564 : vector<32xbf16>
      %add3A_566 = arith.constant 5 : i32
      %add3A_567 = arith.addi %mul3A_505, %add3A_566 : i32
      %get3A_568 = arith.index_cast %add3A_567 : i32 to index
      %get3A_569 = arith.constant 32 : index
      %get3A_570 = tpu.vector_load %arg7[%get3A_568, %get3A_569] {strides = array<i32>} : memref<200x64xbf16, #tpu.memory_space<vmem>>, vector<32xbf16>,
      %add3A_571 = arith.addf %add3A_559, %get3A_570 : vector<32xbf16>
      %add3A_572 = arith.constant 6 : i32
      %add3A_573 = arith.addi %mul3A_505, %add3A_572 : i32
      %get3A_574 = arith.index_cast %add3A_573 : i32 to index
      %get3A_575 = arith.constant 0 : index
      %get3A_576 = tpu.vector_load %arg7[%get3A_574, %get3A_575] {strides = array<i32>} : memref<200x64xbf16, #tpu.memory_space<vmem>>, vector<32xbf16>,
      %add3A_577 = arith.addf %add3A_565, %get3A_576 : vector<32xbf16>
      %add3A_578 = arith.constant 6 : i32
      %add3A_579 = arith.addi %mul3A_505, %add3A_578 : i32
      %get3A_580 = arith.index_cast %add3A_579 : i32 to index
      %get3A_581 = arith.constant 32 : index
      %get3A_582 = tpu.vector_load %arg7[%get3A_580, %get3A_581] {strides = array<i32>} : memref<200x64xbf16, #tpu.memory_space<vmem>>, vector<32xbf16>,
      %add3A_583 = arith.addf %add3A_571, %get3A_582 : vector<32xbf16>
      %add3A_584 = arith.constant 7 : i32
      %add3A_585 = arith.addi %mul3A_505, %add3A_584 : i32
      %get3A_586 = arith.index_cast %add3A_585 : i32 to index
      %get3A_587 = arith.constant 0 : index
      %get3A_588 = tpu.vector_load %arg7[%get3A_586, %get3A_587] {strides = array<i32>} : memref<200x64xbf16, #tpu.memory_space<vmem>>, vector<32xbf16>,
      %add3A_589 = arith.addf %add3A_577, %get3A_588 : vector<32xbf16>
      %add3A_590 = arith.constant 7 : i32
      %add3A_591 = arith.addi %mul3A_505, %add3A_590 : i32
      %get3A_592 = arith.index_cast %add3A_591 : i32 to index
      %get3A_593 = arith.constant 32 : index
      %get3A_594 = tpu.vector_load %arg7[%get3A_592, %get3A_593] {strides = array<i32>} : memref<200x64xbf16, #tpu.memory_space<vmem>>, vector<32xbf16>,
      %add3A_595 = arith.addf %add3A_583, %get3A_594 : vector<32xbf16>
      %unpack3A_596 = tpu.unpack_subelements %add3A_589, 0 {pack_format = #tpu.pack_format<interleaved>} : vector<32xbf16> -> vector<16xf32>
      %unpack3A_597 = tpu.unpack_subelements %add3A_589, 1 {pack_format = #tpu.pack_format<interleaved>} : vector<32xbf16> -> vector<16xf32>
      %add3A_598 = arith.addf %add3A_496, %unpack3A_596 : vector<16xf32>
      %add3A_599 = arith.addf %add3A_497, %unpack3A_597 : vector<16xf32>
      %unpack3A_600 = tpu.unpack_subelements %add3A_595, 0 {pack_format = #tpu.pack_format<interleaved>} : vector<32xbf16> -> vector<16xf32>
      %unpack3A_601 = tpu.unpack_subelements %add3A_595, 1 {pack_format = #tpu.pack_format<interleaved>} : vector<32xbf16> -> vector<16xf32>
      %add3A_602 = arith.addf %add3A_500, %unpack3A_600 : vector<16xf32>
      %add3A_603 = arith.addf %add3A_501, %unpack3A_601 : vector<16xf32>
      scf.yield %add3A_598, %add3A_599, %add3A_602, %add3A_603 : vector<16xf32>, vector<16xf32>, vector<16xf32>, vector<16xf32>
    }
    %scan3A_67 = arith.constant 24 : i32
    %scan3A_68 = arith.addi %scan3A_62, %scan3A_67 : i32
    %mul3A_69 = arith.constant 8 : i32
    %mul3A_70 = arith.muli %scan3A_68, %mul3A_69 : i32
    %get3A = arith.index_cast %mul3A_70 : i32 to index
    %get3A_71 = arith.constant 0 : index
    %get3A_72 = tpu.vector_load %arg7[%get3A, %get3A_71] {strides = array<i32>} : memref<200x64xbf16, #tpu.memory_space<vmem>>, vector<32xbf16>,
    %get3A_73 = arith.index_cast %mul3A_70 : i32 to index
    %get3A_74 = arith.constant 32 : index
    %get3A_75 = tpu.vector_load %arg7[%get3A_73, %get3A_74] {strides = array<i32>} : memref<200x64xbf16, #tpu.memory_space<vmem>>, vector<32xbf16>,
    %add3A_76 = arith.constant 1 : i32
    %add3A_77 = arith.addi %mul3A_70, %add3A_76 : i32
    %get3A_78 = arith.index_cast %add3A_77 : i32 to index
    %get3A_79 = arith.constant 0 : index
    %get3A_80 = tpu.vector_load %arg7[%get3A_78, %get3A_79] {strides = array<i32>} : memref<200x64xbf16, #tpu.memory_space<vmem>>, vector<32xbf16>,
    %add3A_81 = arith.addf %get3A_72, %get3A_80 : vector<32xbf16>
    %add3A_82 = arith.constant 1 : i32
    %add3A_83 = arith.addi %mul3A_70, %add3A_82 : i32
    %get3A_84 = arith.index_cast %add3A_83 : i32 to index
    %get3A_85 = arith.constant 32 : index
    %get3A_86 = tpu.vector_load %arg7[%get3A_84, %get3A_85] {strides = array<i32>} : memref<200x64xbf16, #tpu.memory_space<vmem>>, vector<32xbf16>,
    %add3A_87 = arith.addf %get3A_75, %get3A_86 : vector<32xbf16>
    %add3A_88 = arith.constant 2 : i32
    %add3A_89 = arith.addi %mul3A_70, %add3A_88 : i32
    %get3A_90 = arith.index_cast %add3A_89 : i32 to index
    %get3A_91 = arith.constant 0 : index
    %get3A_92 = tpu.vector_load %arg7[%get3A_90, %get3A_91] {strides = array<i32>} : memref<200x64xbf16, #tpu.memory_space<vmem>>, vector<32xbf16>,
    %add3A_93 = arith.addf %add3A_81, %get3A_92 : vector<32xbf16>
    %add3A_94 = arith.constant 2 : i32
    %add3A_95 = arith.addi %mul3A_70, %add3A_94 : i32
    %get3A_96 = arith.index_cast %add3A_95 : i32 to index
    %get3A_97 = arith.constant 32 : index
    %get3A_98 = tpu.vector_load %arg7[%get3A_96, %get3A_97] {strides = array<i32>} : memref<200x64xbf16, #tpu.memory_space<vmem>>, vector<32xbf16>,
    %add3A_99 = arith.addf %add3A_87, %get3A_98 : vector<32xbf16>
    %add3A_100 = arith.constant 3 : i32
    %add3A_101 = arith.addi %mul3A_70, %add3A_100 : i32
    %get3A_102 = arith.index_cast %add3A_101 : i32 to index
    %get3A_103 = arith.constant 0 : index
    %get3A_104 = tpu.vector_load %arg7[%get3A_102, %get3A_103] {strides = array<i32>} : memref<200x64xbf16, #tpu.memory_space<vmem>>, vector<32xbf16>,
    %add3A_105 = arith.addf %add3A_93, %get3A_104 : vector<32xbf16>
    %add3A_106 = arith.constant 3 : i32
    %add3A_107 = arith.addi %mul3A_70, %add3A_106 : i32
    %get3A_108 = arith.index_cast %add3A_107 : i32 to index
    %get3A_109 = arith.constant 32 : index
    %get3A_110 = tpu.vector_load %arg7[%get3A_108, %get3A_109] {strides = array<i32>} : memref<200x64xbf16, #tpu.memory_space<vmem>>, vector<32xbf16>,
    %add3A_111 = arith.addf %add3A_99, %get3A_110 : vector<32xbf16>
    %add3A_112 = arith.constant 4 : i32
    %add3A_113 = arith.addi %mul3A_70, %add3A_112 : i32
    %get3A_114 = arith.index_cast %add3A_113 : i32 to index
    %get3A_115 = arith.constant 0 : index
    %get3A_116 = tpu.vector_load %arg7[%get3A_114, %get3A_115] {strides = array<i32>} : memref<200x64xbf16, #tpu.memory_space<vmem>>, vector<32xbf16>,
    %add3A_117 = arith.addf %add3A_105, %get3A_116 : vector<32xbf16>
    %add3A_118 = arith.constant 4 : i32
    %add3A_119 = arith.addi %mul3A_70, %add3A_118 : i32
    %get3A_120 = arith.index_cast %add3A_119 : i32 to index
    %get3A_121 = arith.constant 32 : index
    %get3A_122 = tpu.vector_load %arg7[%get3A_120, %get3A_121] {strides = array<i32>} : memref<200x64xbf16, #tpu.memory_space<vmem>>, vector<32xbf16>,
    %add3A_123 = arith.addf %add3A_111, %get3A_122 : vector<32xbf16>
    %add3A_124 = arith.constant 5 : i32
    %add3A_125 = arith.addi %mul3A_70, %add3A_124 : i32
    %get3A_126 = arith.index_cast %add3A_125 : i32 to index
    %get3A_127 = arith.constant 0 : index
    %get3A_128 = tpu.vector_load %arg7[%get3A_126, %get3A_127] {strides = array<i32>} : memref<200x64xbf16, #tpu.memory_space<vmem>>, vector<32xbf16>,
    %add3A_129 = arith.addf %add3A_117, %get3A_128 : vector<32xbf16>
    %add3A_130 = arith.constant 5 : i32
    %add3A_131 = arith.addi %mul3A_70, %add3A_130 : i32
    %get3A_132 = arith.index_cast %add3A_131 : i32 to index
    %get3A_133 = arith.constant 32 : index
    %get3A_134 = tpu.vector_load %arg7[%get3A_132, %get3A_133] {strides = array<i32>} : memref<200x64xbf16, #tpu.memory_space<vmem>>, vector<32xbf16>,
    %add3A_135 = arith.addf %add3A_123, %get3A_134 : vector<32xbf16>
    %add3A_136 = arith.constant 6 : i32
    %add3A_137 = arith.addi %mul3A_70, %add3A_136 : i32
    %get3A_138 = arith.index_cast %add3A_137 : i32 to index
    %get3A_139 = arith.constant 0 : index
    %get3A_140 = tpu.vector_load %arg7[%get3A_138, %get3A_139] {strides = array<i32>} : memref<200x64xbf16, #tpu.memory_space<vmem>>, vector<32xbf16>,
    %add3A_141 = arith.addf %add3A_129, %get3A_140 : vector<32xbf16>
    %add3A_142 = arith.constant 6 : i32
    %add3A_143 = arith.addi %mul3A_70, %add3A_142 : i32
    %get3A_144 = arith.index_cast %add3A_143 : i32 to index
    %get3A_145 = arith.constant 32 : index
    %get3A_146 = tpu.vector_load %arg7[%get3A_144, %get3A_145] {strides = array<i32>} : memref<200x64xbf16, #tpu.memory_space<vmem>>, vector<32xbf16>,
    %add3A_147 = arith.addf %add3A_135, %get3A_146 : vector<32xbf16>
    %add3A_148 = arith.constant 7 : i32
    %add3A_149 = arith.addi %mul3A_70, %add3A_148 : i32
    %get3A_150 = arith.index_cast %add3A_149 : i32 to index
    %get3A_151 = arith.constant 0 : index
    %get3A_152 = tpu.vector_load %arg7[%get3A_150, %get3A_151] {strides = array<i32>} : memref<200x64xbf16, #tpu.memory_space<vmem>>, vector<32xbf16>,
    %add3A_153 = arith.addf %add3A_141, %get3A_152 : vector<32xbf16>
    %add3A_154 = arith.constant 7 : i32
    %add3A_155 = arith.addi %mul3A_70, %add3A_154 : i32
    %get3A_156 = arith.index_cast %add3A_155 : i32 to index
    %get3A_157 = arith.constant 32 : index
    %get3A_158 = tpu.vector_load %arg7[%get3A_156, %get3A_157] {strides = array<i32>} : memref<200x64xbf16, #tpu.memory_space<vmem>>, vector<32xbf16>,
    %add3A_159 = arith.addf %add3A_147, %get3A_158 : vector<32xbf16>
    %unpack3A = tpu.unpack_subelements %add3A_153, 0 {pack_format = #tpu.pack_format<interleaved>} : vector<32xbf16> -> vector<16xf32>
    %unpack3A_160 = tpu.unpack_subelements %add3A_153, 1 {pack_format = #tpu.pack_format<interleaved>} : vector<32xbf16> -> vector<16xf32>
    %add3A_161 = arith.addf %scan3A_66#0, %unpack3A : vector<16xf32>
    %add3A_162 = arith.addf %scan3A_66#1, %unpack3A_160 : vector<16xf32>
    %unpack3A_163 = tpu.unpack_subelements %add3A_159, 0 {pack_format = #tpu.pack_format<interleaved>} : vector<32xbf16> -> vector<16xf32>
    %unpack3A_164 = tpu.unpack_subelements %add3A_159, 1 {pack_format = #tpu.pack_format<interleaved>} : vector<32xbf16> -> vector<16xf32>
    %add3A_165 = arith.addf %scan3A_66#2, %unpack3A_163 : vector<16xf32>
    %add3A_166 = arith.addf %scan3A_66#3, %unpack3A_164 : vector<16xf32>
    %scan3A_167 = arith.constant 25 : i32
    %get3A_168 = arith.constant 126 : index
    %get3A_169 = tpu.vector_load %arg9[%get3A_168] {strides = array<i32>} : memref<144xi32, #tpu.memory_space<vmem>>, vector<16xi32>,
    %convert_element_type3A = arith.sitofp %get3A_169 : vector<16xi32> to vector<16xf32>
    %broadcast_in_dim3A_170 = arith.constant 1.000000e+00 : f32
    %broadcast_in_dim3A_171 = vector.broadcast %broadcast_in_dim3A_170 : f32 to vector<16xf32>
    %div3A = arith.divf %broadcast_in_dim3A_171, %convert_element_type3A : vector<16xf32>
    %slice3A = vector.extract_strided_slice %div3A {offsets = [0], sizes = [1], strides = [1]} : vector<16xf32> to vector<1xf32>
    %squeeze3A = vector.extract %slice3A[0] : f32 from vector<1xf32>
    %iota3A = tpu.iota {dimensions = array<i32: 0>} : vector<16xi32>
    %mul3A_172 = arith.constant 2 : i32
    %mul3A_173 = vector.broadcast %mul3A_172 : i32 to vector<16xi32>
    %mul3A_174 = arith.muli %mul3A_173, %iota3A : vector<16xi32>
    %add3A_175 = arith.constant 8064 : i32
    %add3A_176 = vector.broadcast %add3A_175 : i32 to vector<16xi32>
    %add3A_177 = arith.addi %add3A_176, %mul3A_174 : vector<16xi32>
    %add3A_178 = arith.constant 0 : i32
    %add3A_179 = vector.broadcast %add3A_178 : i32 to vector<16xi32>
    %add3A_180 = arith.addi %add3A_177, %add3A_179 : vector<16xi32>
    %mul3A_181 = vector.broadcast %squeeze3A : f32 to vector<16xf32>
    %mul3A_182 = arith.mulf %add3A_161, %mul3A_181 : vector<16xf32>
    tpu.vector_store_idx %arg10[%add3A_180], %mul3A_182 : memref<8192xf32, #tpu.memory_space<vmem>>[vector<16xi32>], vector<16xf32>,
    %add3A_183 = arith.constant 8064 : i32
    %add3A_184 = vector.broadcast %add3A_183 : i32 to vector<16xi32>
    %add3A_185 = arith.addi %add3A_184, %mul3A_174 : vector<16xi32>
    %add3A_186 = arith.constant 0 : i32
    %add3A_187 = vector.broadcast %add3A_186 : i32 to vector<16xi32>
    %add3A_188 = arith.addi %add3A_185, %add3A_187 : vector<16xi32>
    %add3A_189 = arith.constant 1 : i32
    %add3A_190 = vector.broadcast %add3A_189 : i32 to vector<16xi32>
    %add3A_191 = arith.addi %add3A_188, %add3A_190 : vector<16xi32>
    %mul3A_192 = vector.broadcast %squeeze3A : f32 to vector<16xf32>
    %mul3A_193 = arith.mulf %add3A_162, %mul3A_192 : vector<16xf32>
    tpu.vector_store_idx %arg10[%add3A_191], %mul3A_193 : memref<8192xf32, #tpu.memory_space<vmem>>[vector<16xi32>], vector<16xf32>,
    %add3A_194 = arith.constant 8064 : i32
    %add3A_195 = vector.broadcast %add3A_194 : i32 to vector<16xi32>
    %add3A_196 = arith.addi %add3A_195, %mul3A_174 : vector<16xi32>
    %add3A_197 = arith.constant 32 : i32
    %add3A_198 = vector.broadcast %add3A_197 : i32 to vector<16xi32>
    %add3A_199 = arith.addi %add3A_196, %add3A_198 : vector<16xi32>
    %mul3A_200 = vector.broadcast %squeeze3A : f32 to vector<16xf32>
    %mul3A_201 = arith.mulf %add3A_165, %mul3A_200 : vector<16xf32>
    tpu.vector_store_idx %arg10[%add3A_199], %mul3A_201 : memref<8192xf32, #tpu.memory_space<vmem>>[vector<16xi32>], vector<16xf32>,
    %add3A_202 = arith.constant 8064 : i32
    %add3A_203 = vector.broadcast %add3A_202 : i32 to vector<16xi32>
    %add3A_204 = arith.addi %add3A_203, %mul3A_174 : vector<16xi32>
    %add3A_205 = arith.constant 32 : i32
    %add3A_206 = vector.broadcast %add3A_205 : i32 to vector<16xi32>
    %add3A_207 = arith.addi %add3A_204, %add3A_206 : vector<16xi32>
    %add3A_208 = arith.constant 1 : i32
    %add3A_209 = vector.broadcast %add3A_208 : i32 to vector<16xi32>
    %add3A_210 = arith.addi %add3A_207, %add3A_209 : vector<16xi32>
    %mul3A_211 = vector.broadcast %squeeze3A : f32 to vector<16xf32>
    %mul3A_212 = arith.mulf %add3A_166, %mul3A_211 : vector<16xf32>
    tpu.vector_store_idx %arg10[%add3A_210], %mul3A_212 : memref<8192xf32, #tpu.memory_space<vmem>>[vector<16xi32>], vector<16xf32>,
    %dma_wait3A_213 = arith.constant 0 : i32
    %dma_wait3A_214 = arith.constant 0 : i32
    %dma_wait3A_215 = tpu.memref_slice %arg8[%dma_wait3A_213, %dma_wait3A_214] : memref<200x64xbf16, #tpu.memory_space<vmem>> -> memref<104x64xbf16, #tpu.memory_space<vmem>>
    %dma_wait3A_216 = arith.constant 25400 : i32
    %dma_wait3A_217 = tpu.memref_slice %arg6[%dma_wait3A_216] : memref<25600xi32, #tpu.memory_space<vmem>> -> memref<104xi32, #tpu.memory_space<vmem>>
    %dma_wait3A_218 = arith.constant 0 : i32
    %dma_wait3A_219 = arith.constant 0 : i32
    %dma_wait3A_220 = tpu.memref_slice %arg2[%dma_wait3A_218, %dma_wait3A_219] : memref<100000x64xbf16, #tpu.memory_space<hbm>> -> memref<100000x64xbf16, #tpu.memory_space<hbm>>
    tpu.wait_indirect_dma semaphore(%arg12 : memref<!tpu.dma_semaphore, #tpu.memory_space<semaphore_mem>>) src(%dma_wait3A_220 : memref<100000x64xbf16, #tpu.memory_space<hbm>>) dst(%dma_wait3A_215 : memref<104x64xbf16, #tpu.memory_space<vmem>>)
    %dma_wait3A_221 = arith.constant 104 : i32
    %dma_wait3A_222 = arith.constant 0 : i32
    %dma_wait3A_223 = tpu.memref_slice %arg8[%dma_wait3A_221, %dma_wait3A_222] : memref<200x64xbf16, #tpu.memory_space<vmem>> -> memref<96x64xbf16, #tpu.memory_space<vmem>>
    %dma_wait3A_224 = arith.constant 25504 : i32
    %dma_wait3A_225 = tpu.memref_slice %arg6[%dma_wait3A_224] : memref<25600xi32, #tpu.memory_space<vmem>> -> memref<96xi32, #tpu.memory_space<vmem>>
    %dma_wait3A_226 = arith.constant 0 : i32
    %dma_wait3A_227 = arith.constant 0 : i32
    %dma_wait3A_228 = tpu.memref_slice %arg2[%dma_wait3A_226, %dma_wait3A_227] : memref<100000x64xbf16, #tpu.memory_space<hbm>> -> memref<100000x64xbf16, #tpu.memory_space<hbm>>
    tpu.wait_indirect_dma semaphore(%arg12 : memref<!tpu.dma_semaphore, #tpu.memory_space<semaphore_mem>>) src(%dma_wait3A_228 : memref<100000x64xbf16, #tpu.memory_space<hbm>>) dst(%dma_wait3A_223 : memref<96x64xbf16, #tpu.memory_space<vmem>>)
    %broadcast_in_dim3A_229 = arith.constant 0.000000e+00 : f32
    %broadcast_in_dim3A_230 = vector.broadcast %broadcast_in_dim3A_229 : f32 to vector<16xf32>
    %broadcast_in_dim3A_231 = arith.constant 0.000000e+00 : f32
    %broadcast_in_dim3A_232 = vector.broadcast %broadcast_in_dim3A_231 : f32 to vector<16xf32>
    %broadcast_in_dim3A_233 = arith.constant 0.000000e+00 : f32
    %broadcast_in_dim3A_234 = vector.broadcast %broadcast_in_dim3A_233 : f32 to vector<16xf32>
    %broadcast_in_dim3A_235 = arith.constant 0.000000e+00 : f32
    %broadcast_in_dim3A_236 = vector.broadcast %broadcast_in_dim3A_235 : f32 to vector<16xf32>
    %scan3A_237 = arith.constant 0 : i32
    %scan3A_238 = arith.constant 24 : i32
    %scan3A_239 = arith.addi %scan3A_237, %scan3A_238 : i32
    %scan3A_240 = arith.constant 2 : i32
    %scan3A_241:4 = scf.for %scan3A_397 = %scan3A_237 to %scan3A_239 step %scan3A_240 iter_args(%scan3A_398 = %broadcast_in_dim3A_230, %scan3A_399 = %broadcast_in_dim3A_232, %scan3A_400 = %broadcast_in_dim3A_234, %scan3A_401 = %broadcast_in_dim3A_236) -> (vector<16xf32>, vector<16xf32>, vector<16xf32>, vector<16xf32>)  : i32 {
      %mul3A_402 = arith.constant 8 : i32
      %mul3A_403 = arith.muli %scan3A_397, %mul3A_402 : i32
      %get3A_404 = arith.index_cast %mul3A_403 : i32 to index
      %get3A_405 = arith.constant 0 : index
      %get3A_406 = tpu.vector_load %arg8[%get3A_404, %get3A_405] {strides = array<i32>} : memref<200x64xbf16, #tpu.memory_space<vmem>>, vector<32xbf16>,
      %get3A_407 = arith.index_cast %mul3A_403 : i32 to index
      %get3A_408 = arith.constant 32 : index
      %get3A_409 = tpu.vector_load %arg8[%get3A_407, %get3A_408] {strides = array<i32>} : memref<200x64xbf16, #tpu.memory_space<vmem>>, vector<32xbf16>,
      %add3A_410 = arith.constant 1 : i32
      %add3A_411 = arith.addi %mul3A_403, %add3A_410 : i32
      %get3A_412 = arith.index_cast %add3A_411 : i32 to index
      %get3A_413 = arith.constant 0 : index
      %get3A_414 = tpu.vector_load %arg8[%get3A_412, %get3A_413] {strides = array<i32>} : memref<200x64xbf16, #tpu.memory_space<vmem>>, vector<32xbf16>,
      %add3A_415 = arith.addf %get3A_406, %get3A_414 : vector<32xbf16>
      %add3A_416 = arith.constant 1 : i32
      %add3A_417 = arith.addi %mul3A_403, %add3A_416 : i32
      %get3A_418 = arith.index_cast %add3A_417 : i32 to index
      %get3A_419 = arith.constant 32 : index
      %get3A_420 = tpu.vector_load %arg8[%get3A_418, %get3A_419] {strides = array<i32>} : memref<200x64xbf16, #tpu.memory_space<vmem>>, vector<32xbf16>,
      %add3A_421 = arith.addf %get3A_409, %get3A_420 : vector<32xbf16>
      %add3A_422 = arith.constant 2 : i32
      %add3A_423 = arith.addi %mul3A_403, %add3A_422 : i32
      %get3A_424 = arith.index_cast %add3A_423 : i32 to index
      %get3A_425 = arith.constant 0 : index
      %get3A_426 = tpu.vector_load %arg8[%get3A_424, %get3A_425] {strides = array<i32>} : memref<200x64xbf16, #tpu.memory_space<vmem>>, vector<32xbf16>,
      %add3A_427 = arith.addf %add3A_415, %get3A_426 : vector<32xbf16>
      %add3A_428 = arith.constant 2 : i32
      %add3A_429 = arith.addi %mul3A_403, %add3A_428 : i32
      %get3A_430 = arith.index_cast %add3A_429 : i32 to index
      %get3A_431 = arith.constant 32 : index
      %get3A_432 = tpu.vector_load %arg8[%get3A_430, %get3A_431] {strides = array<i32>} : memref<200x64xbf16, #tpu.memory_space<vmem>>, vector<32xbf16>,
      %add3A_433 = arith.addf %add3A_421, %get3A_432 : vector<32xbf16>
      %add3A_434 = arith.constant 3 : i32
      %add3A_435 = arith.addi %mul3A_403, %add3A_434 : i32
      %get3A_436 = arith.index_cast %add3A_435 : i32 to index
      %get3A_437 = arith.constant 0 : index
      %get3A_438 = tpu.vector_load %arg8[%get3A_436, %get3A_437] {strides = array<i32>} : memref<200x64xbf16, #tpu.memory_space<vmem>>, vector<32xbf16>,
      %add3A_439 = arith.addf %add3A_427, %get3A_438 : vector<32xbf16>
      %add3A_440 = arith.constant 3 : i32
      %add3A_441 = arith.addi %mul3A_403, %add3A_440 : i32
      %get3A_442 = arith.index_cast %add3A_441 : i32 to index
      %get3A_443 = arith.constant 32 : index
      %get3A_444 = tpu.vector_load %arg8[%get3A_442, %get3A_443] {strides = array<i32>} : memref<200x64xbf16, #tpu.memory_space<vmem>>, vector<32xbf16>,
      %add3A_445 = arith.addf %add3A_433, %get3A_444 : vector<32xbf16>
      %add3A_446 = arith.constant 4 : i32
      %add3A_447 = arith.addi %mul3A_403, %add3A_446 : i32
      %get3A_448 = arith.index_cast %add3A_447 : i32 to index
      %get3A_449 = arith.constant 0 : index
      %get3A_450 = tpu.vector_load %arg8[%get3A_448, %get3A_449] {strides = array<i32>} : memref<200x64xbf16, #tpu.memory_space<vmem>>, vector<32xbf16>,
      %add3A_451 = arith.addf %add3A_439, %get3A_450 : vector<32xbf16>
      %add3A_452 = arith.constant 4 : i32
      %add3A_453 = arith.addi %mul3A_403, %add3A_452 : i32
      %get3A_454 = arith.index_cast %add3A_453 : i32 to index
      %get3A_455 = arith.constant 32 : index
      %get3A_456 = tpu.vector_load %arg8[%get3A_454, %get3A_455] {strides = array<i32>} : memref<200x64xbf16, #tpu.memory_space<vmem>>, vector<32xbf16>,
      %add3A_457 = arith.addf %add3A_445, %get3A_456 : vector<32xbf16>
      %add3A_458 = arith.constant 5 : i32
      %add3A_459 = arith.addi %mul3A_403, %add3A_458 : i32
      %get3A_460 = arith.index_cast %add3A_459 : i32 to index
      %get3A_461 = arith.constant 0 : index
      %get3A_462 = tpu.vector_load %arg8[%get3A_460, %get3A_461] {strides = array<i32>} : memref<200x64xbf16, #tpu.memory_space<vmem>>, vector<32xbf16>,
      %add3A_463 = arith.addf %add3A_451, %get3A_462 : vector<32xbf16>
      %add3A_464 = arith.constant 5 : i32
      %add3A_465 = arith.addi %mul3A_403, %add3A_464 : i32
      %get3A_466 = arith.index_cast %add3A_465 : i32 to index
      %get3A_467 = arith.constant 32 : index
      %get3A_468 = tpu.vector_load %arg8[%get3A_466, %get3A_467] {strides = array<i32>} : memref<200x64xbf16, #tpu.memory_space<vmem>>, vector<32xbf16>,
      %add3A_469 = arith.addf %add3A_457, %get3A_468 : vector<32xbf16>
      %add3A_470 = arith.constant 6 : i32
      %add3A_471 = arith.addi %mul3A_403, %add3A_470 : i32
      %get3A_472 = arith.index_cast %add3A_471 : i32 to index
      %get3A_473 = arith.constant 0 : index
      %get3A_474 = tpu.vector_load %arg8[%get3A_472, %get3A_473] {strides = array<i32>} : memref<200x64xbf16, #tpu.memory_space<vmem>>, vector<32xbf16>,
      %add3A_475 = arith.addf %add3A_463, %get3A_474 : vector<32xbf16>
      %add3A_476 = arith.constant 6 : i32
      %add3A_477 = arith.addi %mul3A_403, %add3A_476 : i32
      %get3A_478 = arith.index_cast %add3A_477 : i32 to index
      %get3A_479 = arith.constant 32 : index
      %get3A_480 = tpu.vector_load %arg8[%get3A_478, %get3A_479] {strides = array<i32>} : memref<200x64xbf16, #tpu.memory_space<vmem>>, vector<32xbf16>,
      %add3A_481 = arith.addf %add3A_469, %get3A_480 : vector<32xbf16>
      %add3A_482 = arith.constant 7 : i32
      %add3A_483 = arith.addi %mul3A_403, %add3A_482 : i32
      %get3A_484 = arith.index_cast %add3A_483 : i32 to index
      %get3A_485 = arith.constant 0 : index
      %get3A_486 = tpu.vector_load %arg8[%get3A_484, %get3A_485] {strides = array<i32>} : memref<200x64xbf16, #tpu.memory_space<vmem>>, vector<32xbf16>,
      %add3A_487 = arith.addf %add3A_475, %get3A_486 : vector<32xbf16>
      %add3A_488 = arith.constant 7 : i32
      %add3A_489 = arith.addi %mul3A_403, %add3A_488 : i32
      %get3A_490 = arith.index_cast %add3A_489 : i32 to index
      %get3A_491 = arith.constant 32 : index
      %get3A_492 = tpu.vector_load %arg8[%get3A_490, %get3A_491] {strides = array<i32>} : memref<200x64xbf16, #tpu.memory_space<vmem>>, vector<32xbf16>,
      %add3A_493 = arith.addf %add3A_481, %get3A_492 : vector<32xbf16>
      %unpack3A_494 = tpu.unpack_subelements %add3A_487, 0 {pack_format = #tpu.pack_format<interleaved>} : vector<32xbf16> -> vector<16xf32>
      %unpack3A_495 = tpu.unpack_subelements %add3A_487, 1 {pack_format = #tpu.pack_format<interleaved>} : vector<32xbf16> -> vector<16xf32>
      %add3A_496 = arith.addf %scan3A_398, %unpack3A_494 : vector<16xf32>
      %add3A_497 = arith.addf %scan3A_399, %unpack3A_495 : vector<16xf32>
      %unpack3A_498 = tpu.unpack_subelements %add3A_493, 0 {pack_format = #tpu.pack_format<interleaved>} : vector<32xbf16> -> vector<16xf32>
      %unpack3A_499 = tpu.unpack_subelements %add3A_493, 1 {pack_format = #tpu.pack_format<interleaved>} : vector<32xbf16> -> vector<16xf32>
      %add3A_500 = arith.addf %scan3A_400, %unpack3A_498 : vector<16xf32>
      %add3A_501 = arith.addf %scan3A_401, %unpack3A_499 : vector<16xf32>
      %scan3A_502 = arith.constant 1 : i32
      %scan3A_503 = arith.addi %scan3A_397, %scan3A_502 : i32
      %mul3A_504 = arith.constant 8 : i32
      %mul3A_505 = arith.muli %scan3A_503, %mul3A_504 : i32
      %get3A_506 = arith.index_cast %mul3A_505 : i32 to index
      %get3A_507 = arith.constant 0 : index
      %get3A_508 = tpu.vector_load %arg8[%get3A_506, %get3A_507] {strides = array<i32>} : memref<200x64xbf16, #tpu.memory_space<vmem>>, vector<32xbf16>,
      %get3A_509 = arith.index_cast %mul3A_505 : i32 to index
      %get3A_510 = arith.constant 32 : index
      %get3A_511 = tpu.vector_load %arg8[%get3A_509, %get3A_510] {strides = array<i32>} : memref<200x64xbf16, #tpu.memory_space<vmem>>, vector<32xbf16>,
      %add3A_512 = arith.constant 1 : i32
      %add3A_513 = arith.addi %mul3A_505, %add3A_512 : i32
      %get3A_514 = arith.index_cast %add3A_513 : i32 to index
      %get3A_515 = arith.constant 0 : index
      %get3A_516 = tpu.vector_load %arg8[%get3A_514, %get3A_515] {strides = array<i32>} : memref<200x64xbf16, #tpu.memory_space<vmem>>, vector<32xbf16>,
      %add3A_517 = arith.addf %get3A_508, %get3A_516 : vector<32xbf16>
      %add3A_518 = arith.constant 1 : i32
      %add3A_519 = arith.addi %mul3A_505, %add3A_518 : i32
      %get3A_520 = arith.index_cast %add3A_519 : i32 to index
      %get3A_521 = arith.constant 32 : index
      %get3A_522 = tpu.vector_load %arg8[%get3A_520, %get3A_521] {strides = array<i32>} : memref<200x64xbf16, #tpu.memory_space<vmem>>, vector<32xbf16>,
      %add3A_523 = arith.addf %get3A_511, %get3A_522 : vector<32xbf16>
      %add3A_524 = arith.constant 2 : i32
      %add3A_525 = arith.addi %mul3A_505, %add3A_524 : i32
      %get3A_526 = arith.index_cast %add3A_525 : i32 to index
      %get3A_527 = arith.constant 0 : index
      %get3A_528 = tpu.vector_load %arg8[%get3A_526, %get3A_527] {strides = array<i32>} : memref<200x64xbf16, #tpu.memory_space<vmem>>, vector<32xbf16>,
      %add3A_529 = arith.addf %add3A_517, %get3A_528 : vector<32xbf16>
      %add3A_530 = arith.constant 2 : i32
      %add3A_531 = arith.addi %mul3A_505, %add3A_530 : i32
      %get3A_532 = arith.index_cast %add3A_531 : i32 to index
      %get3A_533 = arith.constant 32 : index
      %get3A_534 = tpu.vector_load %arg8[%get3A_532, %get3A_533] {strides = array<i32>} : memref<200x64xbf16, #tpu.memory_space<vmem>>, vector<32xbf16>,
      %add3A_535 = arith.addf %add3A_523, %get3A_534 : vector<32xbf16>
      %add3A_536 = arith.constant 3 : i32
      %add3A_537 = arith.addi %mul3A_505, %add3A_536 : i32
      %get3A_538 = arith.index_cast %add3A_537 : i32 to index
      %get3A_539 = arith.constant 0 : index
      %get3A_540 = tpu.vector_load %arg8[%get3A_538, %get3A_539] {strides = array<i32>} : memref<200x64xbf16, #tpu.memory_space<vmem>>, vector<32xbf16>,
      %add3A_541 = arith.addf %add3A_529, %get3A_540 : vector<32xbf16>
      %add3A_542 = arith.constant 3 : i32
      %add3A_543 = arith.addi %mul3A_505, %add3A_542 : i32
      %get3A_544 = arith.index_cast %add3A_543 : i32 to index
      %get3A_545 = arith.constant 32 : index
      %get3A_546 = tpu.vector_load %arg8[%get3A_544, %get3A_545] {strides = array<i32>} : memref<200x64xbf16, #tpu.memory_space<vmem>>, vector<32xbf16>,
      %add3A_547 = arith.addf %add3A_535, %get3A_546 : vector<32xbf16>
      %add3A_548 = arith.constant 4 : i32
      %add3A_549 = arith.addi %mul3A_505, %add3A_548 : i32
      %get3A_550 = arith.index_cast %add3A_549 : i32 to index
      %get3A_551 = arith.constant 0 : index
      %get3A_552 = tpu.vector_load %arg8[%get3A_550, %get3A_551] {strides = array<i32>} : memref<200x64xbf16, #tpu.memory_space<vmem>>, vector<32xbf16>,
      %add3A_553 = arith.addf %add3A_541, %get3A_552 : vector<32xbf16>
      %add3A_554 = arith.constant 4 : i32
      %add3A_555 = arith.addi %mul3A_505, %add3A_554 : i32
      %get3A_556 = arith.index_cast %add3A_555 : i32 to index
      %get3A_557 = arith.constant 32 : index
      %get3A_558 = tpu.vector_load %arg8[%get3A_556, %get3A_557] {strides = array<i32>} : memref<200x64xbf16, #tpu.memory_space<vmem>>, vector<32xbf16>,
      %add3A_559 = arith.addf %add3A_547, %get3A_558 : vector<32xbf16>
      %add3A_560 = arith.constant 5 : i32
      %add3A_561 = arith.addi %mul3A_505, %add3A_560 : i32
      %get3A_562 = arith.index_cast %add3A_561 : i32 to index
      %get3A_563 = arith.constant 0 : index
      %get3A_564 = tpu.vector_load %arg8[%get3A_562, %get3A_563] {strides = array<i32>} : memref<200x64xbf16, #tpu.memory_space<vmem>>, vector<32xbf16>,
      %add3A_565 = arith.addf %add3A_553, %get3A_564 : vector<32xbf16>
      %add3A_566 = arith.constant 5 : i32
      %add3A_567 = arith.addi %mul3A_505, %add3A_566 : i32
      %get3A_568 = arith.index_cast %add3A_567 : i32 to index
      %get3A_569 = arith.constant 32 : index
      %get3A_570 = tpu.vector_load %arg8[%get3A_568, %get3A_569] {strides = array<i32>} : memref<200x64xbf16, #tpu.memory_space<vmem>>, vector<32xbf16>,
      %add3A_571 = arith.addf %add3A_559, %get3A_570 : vector<32xbf16>
      %add3A_572 = arith.constant 6 : i32
      %add3A_573 = arith.addi %mul3A_505, %add3A_572 : i32
      %get3A_574 = arith.index_cast %add3A_573 : i32 to index
      %get3A_575 = arith.constant 0 : index
      %get3A_576 = tpu.vector_load %arg8[%get3A_574, %get3A_575] {strides = array<i32>} : memref<200x64xbf16, #tpu.memory_space<vmem>>, vector<32xbf16>,
      %add3A_577 = arith.addf %add3A_565, %get3A_576 : vector<32xbf16>
      %add3A_578 = arith.constant 6 : i32
      %add3A_579 = arith.addi %mul3A_505, %add3A_578 : i32
      %get3A_580 = arith.index_cast %add3A_579 : i32 to index
      %get3A_581 = arith.constant 32 : index
      %get3A_582 = tpu.vector_load %arg8[%get3A_580, %get3A_581] {strides = array<i32>} : memref<200x64xbf16, #tpu.memory_space<vmem>>, vector<32xbf16>,
      %add3A_583 = arith.addf %add3A_571, %get3A_582 : vector<32xbf16>
      %add3A_584 = arith.constant 7 : i32
      %add3A_585 = arith.addi %mul3A_505, %add3A_584 : i32
      %get3A_586 = arith.index_cast %add3A_585 : i32 to index
      %get3A_587 = arith.constant 0 : index
      %get3A_588 = tpu.vector_load %arg8[%get3A_586, %get3A_587] {strides = array<i32>} : memref<200x64xbf16, #tpu.memory_space<vmem>>, vector<32xbf16>,
      %add3A_589 = arith.addf %add3A_577, %get3A_588 : vector<32xbf16>
      %add3A_590 = arith.constant 7 : i32
      %add3A_591 = arith.addi %mul3A_505, %add3A_590 : i32
      %get3A_592 = arith.index_cast %add3A_591 : i32 to index
      %get3A_593 = arith.constant 32 : index
      %get3A_594 = tpu.vector_load %arg8[%get3A_592, %get3A_593] {strides = array<i32>} : memref<200x64xbf16, #tpu.memory_space<vmem>>, vector<32xbf16>,
      %add3A_595 = arith.addf %add3A_583, %get3A_594 : vector<32xbf16>
      %unpack3A_596 = tpu.unpack_subelements %add3A_589, 0 {pack_format = #tpu.pack_format<interleaved>} : vector<32xbf16> -> vector<16xf32>
      %unpack3A_597 = tpu.unpack_subelements %add3A_589, 1 {pack_format = #tpu.pack_format<interleaved>} : vector<32xbf16> -> vector<16xf32>
      %add3A_598 = arith.addf %add3A_496, %unpack3A_596 : vector<16xf32>
      %add3A_599 = arith.addf %add3A_497, %unpack3A_597 : vector<16xf32>
      %unpack3A_600 = tpu.unpack_subelements %add3A_595, 0 {pack_format = #tpu.pack_format<interleaved>} : vector<32xbf16> -> vector<16xf32>
      %unpack3A_601 = tpu.unpack_subelements %add3A_595, 1 {pack_format = #tpu.pack_format<interleaved>} : vector<32xbf16> -> vector<16xf32>
      %add3A_602 = arith.addf %add3A_500, %unpack3A_600 : vector<16xf32>
      %add3A_603 = arith.addf %add3A_501, %unpack3A_601 : vector<16xf32>
      scf.yield %add3A_598, %add3A_599, %add3A_602, %add3A_603 : vector<16xf32>, vector<16xf32>, vector<16xf32>, vector<16xf32>
    }
    %scan3A_242 = arith.constant 24 : i32
    %scan3A_243 = arith.addi %scan3A_237, %scan3A_242 : i32
    %mul3A_244 = arith.constant 8 : i32
    %mul3A_245 = arith.muli %scan3A_243, %mul3A_244 : i32
    %get3A_246 = arith.index_cast %mul3A_245 : i32 to index
    %get3A_247 = arith.constant 0 : index
    %get3A_248 = tpu.vector_load %arg8[%get3A_246, %get3A_247] {strides = array<i32>} : memref<200x64xbf16, #tpu.memory_space<vmem>>, vector<32xbf16>,
    %get3A_249 = arith.index_cast %mul3A_245 : i32 to index
    %get3A_250 = arith.constant 32 : index
    %get3A_251 = tpu.vector_load %arg8[%get3A_249, %get3A_250] {strides = array<i32>} : memref<200x64xbf16, #tpu.memory_space<vmem>>, vector<32xbf16>,
    %add3A_252 = arith.constant 1 : i32
    %add3A_253 = arith.addi %mul3A_245, %add3A_252 : i32
    %get3A_254 = arith.index_cast %add3A_253 : i32 to index
    %get3A_255 = arith.constant 0 : index
    %get3A_256 = tpu.vector_load %arg8[%get3A_254, %get3A_255] {strides = array<i32>} : memref<200x64xbf16, #tpu.memory_space<vmem>>, vector<32xbf16>,
    %add3A_257 = arith.addf %get3A_248, %get3A_256 : vector<32xbf16>
    %add3A_258 = arith.constant 1 : i32
    %add3A_259 = arith.addi %mul3A_245, %add3A_258 : i32
    %get3A_260 = arith.index_cast %add3A_259 : i32 to index
    %get3A_261 = arith.constant 32 : index
    %get3A_262 = tpu.vector_load %arg8[%get3A_260, %get3A_261] {strides = array<i32>} : memref<200x64xbf16, #tpu.memory_space<vmem>>, vector<32xbf16>,
    %add3A_263 = arith.addf %get3A_251, %get3A_262 : vector<32xbf16>
    %add3A_264 = arith.constant 2 : i32
    %add3A_265 = arith.addi %mul3A_245, %add3A_264 : i32
    %get3A_266 = arith.index_cast %add3A_265 : i32 to index
    %get3A_267 = arith.constant 0 : index
    %get3A_268 = tpu.vector_load %arg8[%get3A_266, %get3A_267] {strides = array<i32>} : memref<200x64xbf16, #tpu.memory_space<vmem>>, vector<32xbf16>,
    %add3A_269 = arith.addf %add3A_257, %get3A_268 : vector<32xbf16>
    %add3A_270 = arith.constant 2 : i32
    %add3A_271 = arith.addi %mul3A_245, %add3A_270 : i32
    %get3A_272 = arith.index_cast %add3A_271 : i32 to index
    %get3A_273 = arith.constant 32 : index
    %get3A_274 = tpu.vector_load %arg8[%get3A_272, %get3A_273] {strides = array<i32>} : memref<200x64xbf16, #tpu.memory_space<vmem>>, vector<32xbf16>,
    %add3A_275 = arith.addf %add3A_263, %get3A_274 : vector<32xbf16>
    %add3A_276 = arith.constant 3 : i32
    %add3A_277 = arith.addi %mul3A_245, %add3A_276 : i32
    %get3A_278 = arith.index_cast %add3A_277 : i32 to index
    %get3A_279 = arith.constant 0 : index
    %get3A_280 = tpu.vector_load %arg8[%get3A_278, %get3A_279] {strides = array<i32>} : memref<200x64xbf16, #tpu.memory_space<vmem>>, vector<32xbf16>,
    %add3A_281 = arith.addf %add3A_269, %get3A_280 : vector<32xbf16>
    %add3A_282 = arith.constant 3 : i32
    %add3A_283 = arith.addi %mul3A_245, %add3A_282 : i32
    %get3A_284 = arith.index_cast %add3A_283 : i32 to index
    %get3A_285 = arith.constant 32 : index
    %get3A_286 = tpu.vector_load %arg8[%get3A_284, %get3A_285] {strides = array<i32>} : memref<200x64xbf16, #tpu.memory_space<vmem>>, vector<32xbf16>,
    %add3A_287 = arith.addf %add3A_275, %get3A_286 : vector<32xbf16>
    %add3A_288 = arith.constant 4 : i32
    %add3A_289 = arith.addi %mul3A_245, %add3A_288 : i32
    %get3A_290 = arith.index_cast %add3A_289 : i32 to index
    %get3A_291 = arith.constant 0 : index
    %get3A_292 = tpu.vector_load %arg8[%get3A_290, %get3A_291] {strides = array<i32>} : memref<200x64xbf16, #tpu.memory_space<vmem>>, vector<32xbf16>,
    %add3A_293 = arith.addf %add3A_281, %get3A_292 : vector<32xbf16>
    %add3A_294 = arith.constant 4 : i32
    %add3A_295 = arith.addi %mul3A_245, %add3A_294 : i32
    %get3A_296 = arith.index_cast %add3A_295 : i32 to index
    %get3A_297 = arith.constant 32 : index
    %get3A_298 = tpu.vector_load %arg8[%get3A_296, %get3A_297] {strides = array<i32>} : memref<200x64xbf16, #tpu.memory_space<vmem>>, vector<32xbf16>,
    %add3A_299 = arith.addf %add3A_287, %get3A_298 : vector<32xbf16>
    %add3A_300 = arith.constant 5 : i32
    %add3A_301 = arith.addi %mul3A_245, %add3A_300 : i32
    %get3A_302 = arith.index_cast %add3A_301 : i32 to index
    %get3A_303 = arith.constant 0 : index
    %get3A_304 = tpu.vector_load %arg8[%get3A_302, %get3A_303] {strides = array<i32>} : memref<200x64xbf16, #tpu.memory_space<vmem>>, vector<32xbf16>,
    %add3A_305 = arith.addf %add3A_293, %get3A_304 : vector<32xbf16>
    %add3A_306 = arith.constant 5 : i32
    %add3A_307 = arith.addi %mul3A_245, %add3A_306 : i32
    %get3A_308 = arith.index_cast %add3A_307 : i32 to index
    %get3A_309 = arith.constant 32 : index
    %get3A_310 = tpu.vector_load %arg8[%get3A_308, %get3A_309] {strides = array<i32>} : memref<200x64xbf16, #tpu.memory_space<vmem>>, vector<32xbf16>,
    %add3A_311 = arith.addf %add3A_299, %get3A_310 : vector<32xbf16>
    %add3A_312 = arith.constant 6 : i32
    %add3A_313 = arith.addi %mul3A_245, %add3A_312 : i32
    %get3A_314 = arith.index_cast %add3A_313 : i32 to index
    %get3A_315 = arith.constant 0 : index
    %get3A_316 = tpu.vector_load %arg8[%get3A_314, %get3A_315] {strides = array<i32>} : memref<200x64xbf16, #tpu.memory_space<vmem>>, vector<32xbf16>,
    %add3A_317 = arith.addf %add3A_305, %get3A_316 : vector<32xbf16>
    %add3A_318 = arith.constant 6 : i32
    %add3A_319 = arith.addi %mul3A_245, %add3A_318 : i32
    %get3A_320 = arith.index_cast %add3A_319 : i32 to index
    %get3A_321 = arith.constant 32 : index
    %get3A_322 = tpu.vector_load %arg8[%get3A_320, %get3A_321] {strides = array<i32>} : memref<200x64xbf16, #tpu.memory_space<vmem>>, vector<32xbf16>,
    %add3A_323 = arith.addf %add3A_311, %get3A_322 : vector<32xbf16>
    %add3A_324 = arith.constant 7 : i32
    %add3A_325 = arith.addi %mul3A_245, %add3A_324 : i32
    %get3A_326 = arith.index_cast %add3A_325 : i32 to index
    %get3A_327 = arith.constant 0 : index
    %get3A_328 = tpu.vector_load %arg8[%get3A_326, %get3A_327] {strides = array<i32>} : memref<200x64xbf16, #tpu.memory_space<vmem>>, vector<32xbf16>,
    %add3A_329 = arith.addf %add3A_317, %get3A_328 : vector<32xbf16>
    %add3A_330 = arith.constant 7 : i32
    %add3A_331 = arith.addi %mul3A_245, %add3A_330 : i32
    %get3A_332 = arith.index_cast %add3A_331 : i32 to index
    %get3A_333 = arith.constant 32 : index
    %get3A_334 = tpu.vector_load %arg8[%get3A_332, %get3A_333] {strides = array<i32>} : memref<200x64xbf16, #tpu.memory_space<vmem>>, vector<32xbf16>,
    %add3A_335 = arith.addf %add3A_323, %get3A_334 : vector<32xbf16>
    %unpack3A_336 = tpu.unpack_subelements %add3A_329, 0 {pack_format = #tpu.pack_format<interleaved>} : vector<32xbf16> -> vector<16xf32>
    %unpack3A_337 = tpu.unpack_subelements %add3A_329, 1 {pack_format = #tpu.pack_format<interleaved>} : vector<32xbf16> -> vector<16xf32>
    %add3A_338 = arith.addf %scan3A_241#0, %unpack3A_336 : vector<16xf32>
    %add3A_339 = arith.addf %scan3A_241#1, %unpack3A_337 : vector<16xf32>
    %unpack3A_340 = tpu.unpack_subelements %add3A_335, 0 {pack_format = #tpu.pack_format<interleaved>} : vector<32xbf16> -> vector<16xf32>
    %unpack3A_341 = tpu.unpack_subelements %add3A_335, 1 {pack_format = #tpu.pack_format<interleaved>} : vector<32xbf16> -> vector<16xf32>
    %add3A_342 = arith.addf %scan3A_241#2, %unpack3A_340 : vector<16xf32>
    %add3A_343 = arith.addf %scan3A_241#3, %unpack3A_341 : vector<16xf32>
    %scan3A_344 = arith.constant 25 : i32
    %get3A_345 = arith.constant 127 : index
    %get3A_346 = tpu.vector_load %arg9[%get3A_345] {strides = array<i32>} : memref<144xi32, #tpu.memory_space<vmem>>, vector<16xi32>,
    %convert_element_type3A_347 = arith.sitofp %get3A_346 : vector<16xi32> to vector<16xf32>
    %broadcast_in_dim3A_348 = arith.constant 1.000000e+00 : f32
    %broadcast_in_dim3A_349 = vector.broadcast %broadcast_in_dim3A_348 : f32 to vector<16xf32>
    %div3A_350 = arith.divf %broadcast_in_dim3A_349, %convert_element_type3A_347 : vector<16xf32>
    %slice3A_351 = vector.extract_strided_slice %div3A_350 {offsets = [0], sizes = [1], strides = [1]} : vector<16xf32> to vector<1xf32>
    %squeeze3A_352 = vector.extract %slice3A_351[0] : f32 from vector<1xf32>
    %iota3A_353 = tpu.iota {dimensions = array<i32: 0>} : vector<16xi32>
    %mul3A_354 = arith.constant 2 : i32
    %mul3A_355 = vector.broadcast %mul3A_354 : i32 to vector<16xi32>
    %mul3A_356 = arith.muli %mul3A_355, %iota3A_353 : vector<16xi32>
    %add3A_357 = arith.constant 8128 : i32
    %add3A_358 = vector.broadcast %add3A_357 : i32 to vector<16xi32>
    %add3A_359 = arith.addi %add3A_358, %mul3A_356 : vector<16xi32>
    %add3A_360 = arith.constant 0 : i32
    %add3A_361 = vector.broadcast %add3A_360 : i32 to vector<16xi32>
    %add3A_362 = arith.addi %add3A_359, %add3A_361 : vector<16xi32>
    %mul3A_363 = vector.broadcast %squeeze3A_352 : f32 to vector<16xf32>
    %mul3A_364 = arith.mulf %add3A_338, %mul3A_363 : vector<16xf32>
    tpu.vector_store_idx %arg10[%add3A_362], %mul3A_364 : memref<8192xf32, #tpu.memory_space<vmem>>[vector<16xi32>], vector<16xf32>,
    %add3A_365 = arith.constant 8128 : i32
    %add3A_366 = vector.broadcast %add3A_365 : i32 to vector<16xi32>
    %add3A_367 = arith.addi %add3A_366, %mul3A_356 : vector<16xi32>
    %add3A_368 = arith.constant 0 : i32
    %add3A_369 = vector.broadcast %add3A_368 : i32 to vector<16xi32>
    %add3A_370 = arith.addi %add3A_367, %add3A_369 : vector<16xi32>
    %add3A_371 = arith.constant 1 : i32
    %add3A_372 = vector.broadcast %add3A_371 : i32 to vector<16xi32>
    %add3A_373 = arith.addi %add3A_370, %add3A_372 : vector<16xi32>
    %mul3A_374 = vector.broadcast %squeeze3A_352 : f32 to vector<16xf32>
    %mul3A_375 = arith.mulf %add3A_339, %mul3A_374 : vector<16xf32>
    tpu.vector_store_idx %arg10[%add3A_373], %mul3A_375 : memref<8192xf32, #tpu.memory_space<vmem>>[vector<16xi32>], vector<16xf32>,
    %add3A_376 = arith.constant 8128 : i32
    %add3A_377 = vector.broadcast %add3A_376 : i32 to vector<16xi32>
    %add3A_378 = arith.addi %add3A_377, %mul3A_356 : vector<16xi32>
    %add3A_379 = arith.constant 32 : i32
    %add3A_380 = vector.broadcast %add3A_379 : i32 to vector<16xi32>
    %add3A_381 = arith.addi %add3A_378, %add3A_380 : vector<16xi32>
    %mul3A_382 = vector.broadcast %squeeze3A_352 : f32 to vector<16xf32>
    %mul3A_383 = arith.mulf %add3A_342, %mul3A_382 : vector<16xf32>
    tpu.vector_store_idx %arg10[%add3A_381], %mul3A_383 : memref<8192xf32, #tpu.memory_space<vmem>>[vector<16xi32>], vector<16xf32>,
    %add3A_384 = arith.constant 8128 : i32
    %add3A_385 = vector.broadcast %add3A_384 : i32 to vector<16xi32>
    %add3A_386 = arith.addi %add3A_385, %mul3A_356 : vector<16xi32>
    %add3A_387 = arith.constant 32 : i32
    %add3A_388 = vector.broadcast %add3A_387 : i32 to vector<16xi32>
    %add3A_389 = arith.addi %add3A_386, %add3A_388 : vector<16xi32>
    %add3A_390 = arith.constant 1 : i32
    %add3A_391 = vector.broadcast %add3A_390 : i32 to vector<16xi32>
    %add3A_392 = arith.addi %add3A_389, %add3A_391 : vector<16xi32>
    %mul3A_393 = vector.broadcast %squeeze3A_352 : f32 to vector<16xf32>
    %mul3A_394 = arith.mulf %add3A_343, %mul3A_393 : vector<16xf32>
    tpu.vector_store_idx %arg10[%add3A_392], %mul3A_394 : memref<8192xf32, #tpu.memory_space<vmem>>[vector<16xi32>], vector<16xf32>,
    %mul3A_395 = arith.constant 64 : i32
    %mul3A_396 = arith.muli %mul3A_2, %mul3A_395 : i32
    "tpu.region"() ({
      %run_scoped3A = tpu.sem_alloc : memref<!tpu.dma_semaphore, #tpu.memory_space<semaphore_mem>>
      %dma_start3A_397 = tpu.memref_slice %arg5[%mul3A_396] : memref<262144xf32, #tpu.memory_space<hbm>> -> memref<8192xf32, #tpu.memory_space<hbm>>
      %dma_start3A_398 = tpu.memref_slice %arg5[%mul3A_396] : memref<262144xf32, #tpu.memory_space<hbm>> -> memref<8192xf32, #tpu.memory_space<hbm>>
      tpu.enqueue_dma source(%arg10 : memref<8192xf32, #tpu.memory_space<vmem>>) target(%dma_start3A_398 : memref<8192xf32, #tpu.memory_space<hbm>>) target_semaphore(%run_scoped3A : memref<!tpu.dma_semaphore, #tpu.memory_space<semaphore_mem>>)
      %dma_wait3A_399 = tpu.memref_slice %arg5[%mul3A_396] : memref<262144xf32, #tpu.memory_space<hbm>> -> memref<8192xf32, #tpu.memory_space<hbm>>
      %dma_wait3A_400 = tpu.memref_slice %arg5[%mul3A_396] : memref<262144xf32, #tpu.memory_space<hbm>> -> memref<8192xf32, #tpu.memory_space<hbm>>
      tpu.wait_dma2 semaphore(%run_scoped3A : memref<!tpu.dma_semaphore, #tpu.memory_space<semaphore_mem>>) src(%arg10 : memref<8192xf32, #tpu.memory_space<vmem>>) dst(%dma_wait3A_400 : memref<8192xf32, #tpu.memory_space<hbm>>)
      tpu.yield
    }) : () -> ()
    return
  }
}

</mosaic_0001>

<sc_bundles>
// kernel: kernel.3.cloned.1.call-start
scs
__scs_entry_jumppad:
0x0: {  	(pc) =	sbr.rel $0x88, $3  }
0x1: {  	(tag) =	ssettag $0x0;
	lr =	simm.s32 $0x1  }
0x2: {  	[smem:$0x3F9E] =	sst lr;
	_ =	strace $0xD0000000  }
0x3: {  	_ = 	snop  }
0x4: {  	_ = 	snop  }
0x5: {  	_ = 	snop  }
0x6: {  	_ = 	snop  }
0x7: {  	_ = 	snop  }
__scs_overlays_trampoline_lowered:
0x8: {  	[smem:$0x3FAD] =	sst s0  }
0x9: {  	[smem:$0x3FAE] =	sst s1  }
0xa: {  	[smem:$0x3FAF] =	sst s2  }
0xb: {  	[smem:$0x3FB0] =	sst s3  }
0xc: {  	[smem:$0x3FB1] =	sst s4  }
0xd: {  	[smem:$0x3FB2] =	sst s5  }
0xe: {  	[smem:$0x3FB3] =	sst s6  }
0xf: {  	[smem:$0x3FB4] =	sst s7  }
0x10: {  	[smem:$0x3FB5] =	sst s8  }
0x11: {  	[smem:$0x3FB6] =	sst s9;
	s0 =	simm.s32 @!p0 $0x0  }
0x12: {  	s1 =	sld [smem:$0x3F9C];
	s0 =	simm.s32 @p0 $0x1  }
0x13: {  	[smem:$0x3FB7] =	sst s0;
	s0 =	simm.s32 @!p1 $0x0  }
0x14: {  	s2 =	sld [smem:$0x3F9B];
	s0 =	simm.s32 @p1 $0x1  }
0x15: {  	[smem:$0x3FB8] =	sst s0;
	s0 =	simm.s32 @!p2 $0x0  }
0x16: {  	s3 =	sld [smem:$0x3FDB];
	s0 =	simm.s32 @p2 $0x1  }
0x17: {  	s4 =	simm.s32 $0x1BF5;
	[smem:$0x3FBA] =	sst s0  }
0x18: {  	s0 =	sld [smem:$0x3F9D];
	_ =	swait.ge [sflag:s4], $0x0  }
0x19: {  	s7 =	sld [smem:$0x3F9E]  }
0x1a: {  	s8 =	sadd.s32 $0xFFFFE003, lr  }
0x1b: {  	s9 =	sadd.s32 $0xFFFFFEF7, lr;
	s5 =	simm.s32 $0xFFFFFFFF;
	p2 =	slt.u32 s8, $0xFFFFF086  }
0x1c: {  	p1 =	slt.u32 s9, $0xF7A;
	s5 =	simm.s32 @!p2 $0x0  }
0x1d: {  	s5 =	simm.s32 @p1 $0x1;
	p0 =	seq.s32 s7, s2  }
0x1e: {  	s7 =	smul.u32 @!p0 $0xF7A, s2;
	p2 =	seq.s32 @!p0 s5, $0x0  }
0x1f: {  	s9 =	smul.u32 $0xF7A, s1;
	s8 =	simm.s32 @!p0 $0x1BF5;
	p2 =	por !p2, p0  }
0x20: {  	[sflag:s8] =	ssyncset.s32 @!p0 $0xFFFFF086;
	s6 =	sadd.s32 @!p0 s3, s7;
	s7 =	simm.s32 @!p0 $0x108  }
0x21: {  	s3 =	sadd.s32 s3, s9;
	s6 =	sadd.s32 @!p0 $0x88, s6;
	s7 =	simm.s32 @p2 $0x1082  }
0x22: {  	[simem:s7], [sflag:s8] =	dma.local @!p0 [hbm:s6], $0xF7A  }
0x23: {  	s9 =	sor.u32 $0xD0000000, s2;
	s6 =	simm.s32 $0x108;
	_ =	swait.ge @!p0 [sflag:s8], $0x0  }
0x24: {  	s3 =	sadd.s32 $0x88, s3;
	s6 =	simm.s32 @!p1 $0x1082;
	[sflag:s4] =	ssyncset.s32 $0xFFFFF086  }
0x25: {  	[simem:s6], [sflag:s4] =	dma.local [hbm:s3], $0xF7A  }
0x26: {  	[smem:$0x3F9E] =	sst s1;
	(tag) =	ssettag s2;
	_ =	strace s9  }
0x27: {  	s1 =	sld [smem:$0x3FAE]  }
0x28: {  	s2 =	sld [smem:$0x3FAF]  }
0x29: {  	s4 =	sld [smem:$0x3FB1]  }
0x2a: {  	p0 =	seq.s32 s5, $0x0;
	s5 =	sld [smem:$0x3FB2]  }
0x2b: {  	s6 =	sld [smem:$0x3FB3]  }
0x2c: {  	s7 =	sld [smem:$0x3FB4]  }
0x2d: {  	s3 =	simm.s32 $0x108;
	s8 =	sld [smem:$0x3FB5]  }
0x2e: {  	s3 =	simm.s32 @!p0 $0x1082;
	s9 =	sld [smem:$0x3FB6]  }
0x2f: {  	lr =	sadd.s32 s0, s3;
	s0 =	sld [smem:$0x3FAD]  }
0x30: {  	s3 =	sld [smem:$0x3FB0]  }
0x31: {  	[smem:$0x3FB9] =	sst s10  }
0x32: {  	s10 =	sld [smem:$0x3FB7];
	_ =	sdelay $0x3  }
0x33: {  	p0 =	seq.s32 s10, $0x1;
	s10 =	sld [smem:$0x3FB9];
	_ =	sdelay $0x3  }
0x34: {  	[smem:$0x3FB9] =	sst s10  }
0x35: {  	s10 =	sld [smem:$0x3FB8];
	_ =	sdelay $0x3  }
0x36: {  	p1 =	seq.s32 s10, $0x1;
	s10 =	sld [smem:$0x3FB9];
	_ =	sdelay $0x3  }
0x37: {  	[smem:$0x3FB9] =	sst s10  }
0x38: {  	s10 =	sld [smem:$0x3FBA]  }
0x39: {  	_ = 	snop;
	(pc) =	sbr.ind lr, $3  }
0x3a: {  	_ = 	snop  }
0x3b: {  	_ = 	snop  }
0x3c: {  	p2 =	seq.s32 s10, $0x1;
	s10 =	sld [smem:$0x3FB9]  }
0x3d: {  	_ =	shalt  }
0x3e: {  	_ =	shalt  }
0x3f: {  	_ =	shalt  }
0x40: {  	_ =	shalt  }
0x41: {  	_ =	shalt  }
0x42: {  	_ =	shalt  }
0x43: {  	_ =	shalt  }
0x44: {  	_ =	shalt  }
0x45: {  	_ =	shalt  }
0x46: {  	_ =	shalt  }
0x47: {  	_ =	shalt  }
0x48: {  	_ =	shalt  }
0x49: {  	_ =	shalt  }
0x4a: {  	_ =	shalt  }
0x4b: {  	_ =	shalt  }
0x4c: {  	_ =	shalt  }
0x4d: {  	_ =	shalt  }
0x4e: {  	_ =	shalt  }
0x4f: {  	_ =	shalt  }
0x50: {  	_ =	shalt  }
0x51: {  	_ =	shalt  }
0x52: {  	_ =	shalt  }
0x53: {  	_ =	shalt  }
0x54: {  	_ =	shalt  }
0x55: {  	_ =	shalt  }
0x56: {  	_ =	shalt  }
0x57: {  	_ =	shalt  }
0x58: {  	_ =	shalt  }
0x59: {  	_ =	shalt  }
0x5a: {  	_ =	shalt  }
0x5b: {  	_ =	shalt  }
0x5c: {  	_ =	shalt  }
0x5d: {  	_ =	shalt  }
0x5e: {  	_ =	shalt  }
0x5f: {  	_ =	shalt  }
0x60: {  	_ =	shalt  }
0x61: {  	_ =	shalt  }
0x62: {  	_ =	shalt  }
0x63: {  	_ =	shalt  }
0x64: {  	_ =	shalt  }
0x65: {  	_ =	shalt  }
0x66: {  	_ =	shalt  }
0x67: {  	_ =	shalt  }
0x68: {  	_ =	shalt  }
0x69: {  	_ =	shalt  }
0x6a: {  	_ =	shalt  }
0x6b: {  	_ =	shalt  }
0x6c: {  	_ =	shalt  }
0x6d: {  	_ =	shalt  }
0x6e: {  	_ =	shalt  }
0x6f: {  	_ =	shalt  }
0x70: {  	_ =	shalt  }
0x71: {  	_ =	shalt  }
0x72: {  	_ =	shalt  }
0x73: {  	_ =	shalt  }
0x74: {  	_ =	shalt  }
0x75: {  	_ =	shalt  }
0x76: {  	_ =	shalt  }
0x77: {  	_ =	shalt  }
0x78: {  	_ =	shalt  }
0x79: {  	_ =	shalt  }
0x7a: {  	_ =	shalt  }
0x7b: {  	_ =	shalt  }
0x7c: {  	_ =	shalt  }
0x7d: {  	_ =	shalt  }
0x7e: {  	_ =	shalt  }
0x7f: {  	_ =	shalt  }
0x80: {  	_ =	shalt  }
0x81: {  	_ =	shalt  }
0x82: {  	_ =	shalt  }
0x83: {  	_ =	shalt  }
0x84: {  	_ =	shalt  }
0x85: {  	_ =	shalt  }
0x86: {  	_ =	shalt  }
0x87: {  	_ =	shalt  }
.Lfunc_end0:
.L_simem_size_0:
called_computation_lowered:
.L_overlay_start_0:
0x88: {  	s2 =	sld [smem:$0x3FD9]  }
0x89: {  	s3 =	sld [smem:$0x3FFE];
	_ =	sdelay $0x1  }
0x8a: {  	s1 =	srdreg.scid  }
0x8b: {  	s0 =	sand.u32 $0x1, s1  }
0x8c: {  	s17 =	sshll.u32 s0, $0xA;
	s2 =	sadd.s32 s3, s2  }
0x8d: {  	s2 =	sadd.s32 s2, s17  }
0x8e: {  	[smem:$0x3FC5] =	sst s2  }
0x8f: {  	_ = 	snop  }
0x90: {  	s2 =	sld [smem:$0x3FC7]  }
0x91: {  	s18 =	sld [smem:$0x3FD0];
	(tm) =	ssettm $0x1  }
0x92: {  	s4 =	sld [smem:$0x3FFB];
	_ =	sdelay $0x3  }
0x93: {  	_ =	strace s4  }
0x94: {  	s4 =	sld [smem:$0x3FFC];
	_ =	sdelay $0x3  }
0x95: {  	_ =	strace s4  }
0x96: {  	s4 =	sld [smem:$0x3FFD];
	_ =	sdelay $0x3  }
0x97: {  	_ =	strace s4  }
0x98: {  	_ =	strace $0x8FFFFFFF  }
0x99: {  	s19 =	sld [smem:$0x3FDB];
	_ =	sdelay $0x1  }
0x9a: {  	s5 =	simm.s32 $_scs_section_size  }
0x9b: {  	s6 =	simm.s32 $_size__tile_overlayer_lowered;
	s7 =	simm.s32 $_tile_overlayer_lowered  }
0x9c: {  	s22 =	simm.s32 $0x1BFF;
	s21 =	sshll.u32 s7, $0x1;
	s4 =	sadd.s32 s5, s19  }
0x9d: {  	s8 =	simm.s32 $0x0;
	s20 =	sshll.u32 s6, $0x1;
	s6 =	sadd.s32 s21, s4  }
0x9e: {  	[timem:s8], [sflag:s22] =	dma.local [hbm:s6], s20  }
0x9f: {  	_ =	swait.ge [sflag:s22], s20  }
0xa0: {  	s5 =	ssub.s32 $0x0, s20;
	[sflag:s22] =	ssyncset.done $0x0  }
0xa1: {  	[sflag:s22] =	ssyncadd.s32 s5;
	_ =	sdelay $0x1  }
0xa2: {  	s23 =	simm.s32 $0x1B8B  }
0xa3: {  	_ =	swait.ge [sflag:s23], $0x1  }
0xa4: {  	[sflag:s23] =	ssyncset.done $0x0  }
0xa5: {  	s25 =	simm.s32 $0x1B8E;
	s24 =	sld [smem:$0x3FFE];
	[sflag:s23] =	ssyncadd.s32 $0xFFFFFFFF  }
0xa6: {  	s26 =	simm.s32 $execute0_lowered;
	[smem:$0x3FD2] =	sst s25  }
0xa7: {  	s6 =	sshll.u32 s26, $0x1;
	_ =	strace $0x80000046;
	[dreg:$0x1] =	wrdreg $0xFFFFFFFF  }
0xa8: {  	s28 =	simm.s32 $_size_execute0_lowered;
	s4 =	sadd.s32 s4, s6;
	[dreg:$0x0] =	wrdreg $0x0  }
0xa9: {  	s6 =	sshll.u32 s28, $0x1;
	[dreg:$0x2] =	wrdreg s4  }
0xaa: {  	[dreg:$0x3] =	wrdreg s6  }
0xab: {  	[dreg:$0x4] =	wrdreg $0xC0  }
0xac: {  	_ =	task [dreg:s8], $0x5FFFF  }
0xad: {  	[dreg:$0x1] =	wrdreg $0xFFFFFFFF  }
0xae: {  	[dreg:$0x0] =	wrdreg $0x60  }
0xaf: {  	[dreg:$0x2] =	wrdreg s24  }
0xb0: {  	[dreg:$0x3] =	wrdreg s2  }
0xb1: {  	[dreg:$0x4] =	wrdreg s18  }
0xb2: {  	[dreg:$0x5] =	wrdreg $0x9  }
0xb3: {  	_ =	task.clear_ibuf [dreg:s8], $0x6FFFF;
	_ =	strace $0x90000046  }
0xb4: {  	s29 =	simm.s32 $0x9;
	_ =	strace $0x80000048  }
0xb5: {  	_ =	swait.ge [sflag:s29], $0x1  }
0xb6: {  	[sflag:s29] =	ssyncadd.s32 $0xFFFFFFFF  }
0xb7: {  	_ =	strace $0x90000048  }
0xb8: {  	_ =	sfence  }
0xb9: {  	s30 =	sld [smem:$0x0];
	_ =	sdelay $0x2  }
0xba: {  	s31 =	sshll.u32 s1, $0xD;
	s1 =	sshrl.u32 s1, $0x2  }
0xbb: {  	s3 =	sand.u32 $0x4000, s31;
	s1 =	sadd.s32 s1, s30  }
0xbc: {  	s0 =	sor.u32 s3, s0;
	s1 =	sshll.u32 s1, $0x11  }
0xbd: {  	s0 =	sor.u32 s1, s0  }
0xbe: {  	s0 =	sadd.s32 $0x8F2B, s0  }
0xbf: {  	[sflag:s0] =	ssyncadd.remote.s32 $0x1  }
0xc0: {  	_ =	sfence.sel $0xFFFF  }
0xc1: {  	[dreg:$0x0] =	wrdreg $0xFFFFFFFF;
	(pc) =	sbr.abs _section_cstart, $3  }
0xc2: {  	[dreg:$0x1] =	wrdreg $0xFFFFFFFF  }
0xc3: {  	_ =	task.clear_ibuf [dreg:s8], $0x2FFFF;
	_ =	strace $0x9FFFFFFF  }
0xc4: {  	(tm) =	ssettm $0x7FFFFFFF  }
0xc5: {  	_ =	shalt  }
tec
execute0_lowered:
.L_overlay_start_1:
0x0: {  	(tag) =	ssettag $0x1  }
0x1: {  	s4 =	rddreg [dreg:$0x0]  }
0x2: {  	s5 =	rddreg [dreg:$0x1];
	s1 =	srdreg.scid  }
0x3: {  	s0 =	stileid.u32;
	s6 =	rddreg [dreg:$0x2]  }
0x4: {  	s2 =	simm.s32 $0x0;
	s10 =	simm.s32 $0x68;
	s11 =	simm.s32 $0x6400  }
0x5: {  	s12 =	simm.s32 $0x60;
	s13 =	simm.s32 $0x7100;
	s14 =	simm.s32 $0xC8  }
0x6: {  	s15 =	simm.s32 $0x7D00;
	s16 =	simm.s32 $0x130;
	s17 =	simm.s32 $0x8A00  }
0x7: {  	v0 =	vlaneseq.u32;
	s18 =	simm.s32 $0x1;
	s19 =	simm.s32 $0x9690;
	s20 =	simm.s32 $0x2  }
0x8: {  	s3 =	sand.u32 $0x1, s1;
	s7 =	sshll.u32 s0, $0x1;
	s1 =	rddreg [dreg:$0x3];
	v1 =	vand.u32 $0x3, v0;
	v0 =	vmul.u32 $0x2, v0  }
0x9: {  	s21 =	simm.s32 $0x0;
	[smem:$0x7FF] =	sst s2;
	s7 =	sor.u32 s3, s7;
	v7 =	vmul.u32 $0x2, v1  }
0xa: {  	_ =	strace $0x80000047;
	s9 =	ssub.s32 $0x2, s3;
	s3 =	sadd.s32 $0x600, s4;
	v2 =	vor.u32 $0x1, v0;
	v3 =	vor.u32 $0x20, v0;
	v5 =	vor.u32 $0x21, v0  }
0xb: {  	s8 =	smul.u32 $0xC80, s7;
	s31 =	sshll.u32 s7, $0x4;
	s7 =	sshll.u32 s7, $0xA;
	v8 =	vor.u32 $0x1F80, v0;
	v9 =	vor.u32 $0x1F81, v0;
	v10 =	vor.u32 $0x1FA0, v0  }
0xc: {  	s30 =	sshrl.u32 s9, $0x1;
	v11 =	vor.u32 $0x1FA1, v0;
	v12 =	vor.u32 $0x1FC0, v0;
	v13 =	vor.u32 $0x1FC1, v0;
	s5 =	sadd.s32 s5, s31;
	s6 =	sadd.s32 s6, s7  }
0xd: {  	v14 =	vor.u32 $0x1FE0, v0;
	v15 =	vor.u32 $0x1FE1, v0;
	v1 =	vor.u32 $0xFFFFFF98, v7;
	s4 =	sadd.s32 s8, s4;
	s8 =	ssub.s32 s9, s30;
	s9 =	simm.s32 $0x9600  }
0xe: {  	v4 =	vor.u32 $0xFFFFFFB8, v7;
	v6 =	vor.u32 $0xFFFFFFD8, v7;
	v7 =	vor.u32 $0xFFFFFFF8, v7;
	s4 =	sadd.s32 $0x62200, s4;
	s7 =	smax.u32 s8, $0x1;
	s8 =	simm.s32 $0x3  }
.LBB2_1:
0xf: {  	[tilespmem:s2], [sflag:$0x3] =	stream.linear.gather [hbm4b:s4+s2], $0x6400, $0x38;
	[tilespmem:$0xB690] =	vst v63  }
0x10: {  	_ =	swait.ge [sflag:s8], $0x6400  }
0x11: {  	[sflag:s8] =	ssyncset.done $0x0  }
0x12: {  	[sflag:s8] =	ssyncadd.s32 $0xFFFF9C00  }
0x13: {  	[tilespmem:s9], [sflag:$0x3] =	stream.linear.gather [hbm4b:s5+s2], $0x80, $0x38;
	[tilespmem:$0xB690] =	vst v63  }
0x14: {  	_ =	swait.ge [sflag:s8], $0x80  }
0x15: {  	[sflag:s8] =	ssyncset.done $0x0  }
0x16: {  	[sflag:s8] =	ssyncadd.s32 $0xFFFFFF80  }
0x17: {  	[tilespmem:s11], [sflag:$0x1] =	stream.indirect.gather [hbm4b:s3+s10], $0x20, s2, s10, $0xb8;
	[tilespmem:$0xB690] =	vst v63  }
0x18: {  	_ = 	snop  }
0x19: {  	[tilespmem:s13], [sflag:$0x1] =	stream.indirect.gather [hbm4b:s3+s12], $0x20, s10, s12, $0xb8;
	[tilespmem:$0xB690] =	vst v63  }
0x1a: {  	_ = 	snop  }
0x1b: {  	[tilespmem:s15], [sflag:$0x2] =	stream.indirect.gather [hbm4b:s3+s10], $0x20, s14, s10, $0xb8;
	[tilespmem:$0xB690] =	vst v63  }
0x1c: {  	s22 =	simm.s32 $0x0  }
0x1d: {  	[tilespmem:s17], [sflag:$0x2] =	stream.indirect.gather [hbm4b:s3+s12], $0x20, s16, s12, $0xb8;
	[tilespmem:$0xB690] =	vst v63  }
.LBB2_2:
0x1e: {  	_ =	swait.ge [sflag:s18], $0xD00  }
0x1f: {  	[sflag:s18] =	ssyncset.done $0x0  }
0x20: {  	[sflag:s18] =	ssyncadd.s32 $0xFFFFF300  }
0x21: {  	_ =	swait.ge [sflag:s18], $0xC00  }
0x22: {  	[sflag:s18] =	ssyncset.done $0x0  }
0x23: {  	s24 =	simm.s32 $0x6500;
	[sflag:s18] =	ssyncadd.s32 $0xFFFFF400  }
0x24: {  	v16 =	vld [tilespmem:s24+$0xE0]  }
0x25: {  	v17 =	vld [tilespmem:s24+$0xFFFFFFE0]  }
0x26: {  	v18 =	vld [tilespmem:s24+$0xC0]  }
0x27: {  	v19 =	vld [tilespmem:s24+$0xA0]  }
0x28: {  	v20 =	vld [tilespmem:s24+$0xFFFFFFA0]  }
0x29: {  	v21 =	vld [tilespmem:s24+$0x80]  }
0x2a: {  	v22 =	vld [tilespmem:s24+$0xFFFFFF80]  }
0x2b: {  	v23 =	vld [tilespmem:s24+$0x60]  }
0x2c: {  	v24 =	vld [tilespmem:s24+$0xFFFFFF60]  }
0x2d: {  	v25 =	vld [tilespmem:s24+$0x40]  }
0x2e: {  	v26 =	vld [tilespmem:s24+$0xFFFFFF40]  }
0x2f: {  	v27 =	vld [tilespmem:s24+$0x0]  }
0x30: {  	v28 =	vld [tilespmem:s24+$0x10]  }
0x31: {  	v29 =	vld [tilespmem:s24+$0x20]  }
0x32: {  	v30 =	vld [tilespmem:s24+$0xFFFFFF00]  }
0x33: {  	v31 =	vld [tilespmem:s24+$0xFFFFFF10]  }
0x34: {  	v32 =	vld [tilespmem:s24+$0xFFFFFF20]  }
0x35: {  	v33 =	vld [tilespmem:s24+$0xFFFFFF30]  }
0x36: {  	v34 =	vld [tilespmem:s24+$0x30]  }
0x37: {  	v35 =	vld [tilespmem:s24+$0xFFFFFF50]  }
0x38: {  	v36 =	vld [tilespmem:s24+$0x50]  }
0x39: {  	v37 =	vld [tilespmem:s24+$0xFFFFFF70];
	v27 =	vadd.bf16 v29, v27  }
0x3a: {  	v29 =	vadd.bf16 v32, v30;
	v30 =	vadd.bf16 v33, v31;
	v31 =	vld [tilespmem:s24+$0x70]  }
0x3b: {  	v62 =	vld [tilespmem:s24+$0xFFFFFF90];
	v28 =	vadd.bf16 v34, v28;
	v25 =	vadd.bf16 v25, v27  }
0x3c: {  	v26 =	vadd.bf16 v26, v29;
	v27 =	vadd.bf16 v35, v30;
	v29 =	vld [tilespmem:s24+$0x90]  }
0x3d: {  	v30 =	vld [tilespmem:s24+$0xFFFFFFB0];
	v63 =	vadd.bf16 v36, v28;
	v25 =	vadd.bf16 v23, v25  }
0x3e: {  	v28 =	vld [tilespmem:s24+$0xB0];
	v24 =	vadd.bf16 v24, v26;
	v26 =	vadd.bf16 v37, v27  }
0x3f: {  	v23 =	vld [tilespmem:s24+$0xFFFFFFC0];
	v31 =	vadd.bf16 v31, v63;
	v21 =	vadd.bf16 v21, v25  }
0x40: {  	v25 =	vld [tilespmem:s24+$0xFFFFFFD0];
	v22 =	vadd.bf16 v22, v24;
	v26 =	vadd.bf16 v62, v26  }
0x41: {  	v27 =	vld [tilespmem:s24+$0xD0];
	v31 =	vadd.bf16 v29, v31;
	v32 =	vadd.bf16 v19, v21  }
0x42: {  	v24 =	vld [tilespmem:s24+$0xFFFFFFF0];
	v21 =	vimm.f32 $0.0e+00;
	v29 =	vadd.bf16 v20, v22;
	v30 =	vadd.bf16 v30, v26  }
0x43: {  	s23 =	simm.s32 $0x0;
	v26 =	vld [tilespmem:s24+$0xF0];
	s24 =	simm.s32 $0x6700;
	v22 =	vimm.f32 $0.0e+00;
	v20 =	vimm.f32 $0.0e+00;
	v19 =	vimm.f32 $0.0e+00  }
.LBB2_3:
0x44: {  	v33 =	vld [tilespmem:s24+$0xE0];
	v28 =	vadd.bf16 v28, v31;
	v31 =	vadd.bf16 v18, v32  }
0x45: {  	v32 =	vld [tilespmem:s24+$0xFFFFFFE0];
	v29 =	vadd.bf16 v23, v29;
	v25 =	vadd.bf16 v25, v30  }
0x46: {  	v18 =	vld [tilespmem:s24+$0xC0];
	v27 =	vadd.bf16 v27, v28;
	v34 =	vadd.bf16 v16, v31  }
0x47: {  	v23 =	vld [tilespmem:s24+$0xFFFFFFC0];
	v35 =	vadd.bf16 v17, v29;
	v24 =	vadd.bf16 v24, v25  }
0x48: {  	v29 =	vld [tilespmem:s24+$0xA0];
	v25 =	vadd.bf16 v26, v27;
	v26 =	vunpack.i.u.bf16.f32 v34;
	v27 =	vunpack.i.l.bf16.f32 v34  }
0x49: {  	v30 =	vld [tilespmem:s24+$0xFFFFFFA0];
	v28 =	vunpack.i.u.bf16.f32 v35;
	v34 =	vunpack.i.l.bf16.f32 v35;
	v31 =	vunpack.i.u.bf16.f32 v24;
	v16 =	vmovc v33  }
0x4a: {  	v24 =	vunpack.i.l.bf16.f32 v24;
	v33 =	vld [tilespmem:s24+$0x80];
	v21 =	vadd.f32 v34, v21;
	v22 =	vadd.f32 v28, v22;
	v17 =	vmovc v32  }
0x4b: {  	v20 =	vadd.f32 v24, v20;
	v19 =	vadd.f32 v31, v19;
	v24 =	vunpack.i.u.bf16.f32 v25;
	v32 =	vld [tilespmem:s24+$0xFFFFFF80]  }
0x4c: {  	v25 =	vunpack.i.l.bf16.f32 v25;
	v28 =	vld [tilespmem:s24+$0x60];
	v21 =	vadd.f32 v27, v21;
	v22 =	vadd.f32 v26, v22  }
0x4d: {  	v20 =	vadd.f32 v25, v20;
	v19 =	vadd.f32 v24, v19;
	v26 =	vld [tilespmem:s24+$0xFFFFFF60]  }
0x4e: {  	v24 =	vld [tilespmem:s24+$0x40]  }
0x4f: {  	v25 =	vld [tilespmem:s24+$0xFFFFFF40]  }
0x50: {  	v27 =	vld [tilespmem:s24+$0x0]  }
0x51: {  	v31 =	vld [tilespmem:s24+$0x10]  }
0x52: {  	v34 =	vld [tilespmem:s24+$0x20]  }
0x53: {  	v35 =	vld [tilespmem:s24+$0xFFFFFF00]  }
0x54: {  	v36 =	vld [tilespmem:s24+$0xFFFFFF10]  }
0x55: {  	v37 =	vld [tilespmem:s24+$0xFFFFFF20]  }
0x56: {  	v38 =	vld [tilespmem:s24+$0xFFFFFF30]  }
0x57: {  	s23 =	sadd.s32 $0x2, s23;
	v39 =	vld [tilespmem:s24+$0x30]  }
0x58: {  	p0 =	slt.u32 s23, $0x16;
	v40 =	vld [tilespmem:s24+$0xFFFFFF50]  }
0x59: {  	v41 =	vld [tilespmem:s24+$0x50]  }
0x5a: {  	v27 =	vadd.bf16 v34, v27;
	v42 =	vld [tilespmem:s24+$0xFFFFFF70]  }
0x5b: {  	v34 =	vadd.bf16 v37, v35;
	v35 =	vadd.bf16 v38, v36;
	v36 =	vld [tilespmem:s24+$0x70]  }
0x5c: {  	v24 =	vadd.bf16 v24, v27;
	v37 =	vld [tilespmem:s24+$0xFFFFFF90];
	v31 =	vadd.bf16 v39, v31  }
0x5d: {  	v25 =	vadd.bf16 v25, v34;
	v27 =	vadd.bf16 v40, v35;
	v34 =	vld [tilespmem:s24+$0x90]  }
0x5e: {  	v24 =	vadd.bf16 v28, v24;
	v35 =	vld [tilespmem:s24+$0xFFFFFFB0];
	v31 =	vadd.bf16 v41, v31  }
.Ltmp0:
0x5f: {  	v26 =	vadd.bf16 v26, v25;
	v27 =	vadd.bf16 v42, v27;
	v28 =	vld [tilespmem:s24+$0xB0];
	(pc) =	sbr.rel @p0 .LBB2_3-.Ltmp0, $4  }
0x60: {  	v33 =	vadd.bf16 v33, v24;
	v25 =	vld [tilespmem:s24+$0xFFFFFFD0];
	v31 =	vadd.bf16 v36, v31  }
0x61: {  	v26 =	vadd.bf16 v32, v26;
	v36 =	vadd.bf16 v37, v27;
	v27 =	vld [tilespmem:s24+$0xD0]  }
0x62: {  	v32 =	vadd.bf16 v29, v33;
	v24 =	vld [tilespmem:s24+$0xFFFFFFF0];
	v31 =	vadd.bf16 v34, v31  }
0x63: {  	v29 =	vadd.bf16 v30, v26;
	v30 =	vadd.bf16 v35, v36;
	v26 =	vld [tilespmem:s24+$0xF0];
	s24 =	sadd.s32 $0x200, s24  }
0x64: {  	v33 =	vld [tilespmem:$0x7C00]  }
0x65: {  	v34 =	vld [tilespmem:$0x7C10]  }
0x66: {  	v35 =	vld [tilespmem:$0x7C20]  }
0x67: {  	v36 =	vld [tilespmem:$0x7C30]  }
0x68: {  	v37 =	vld [tilespmem:$0x7C40]  }
0x69: {  	v38 =	vld [tilespmem:$0x7C50]  }
0x6a: {  	v28 =	vadd.bf16 v28, v31;
	v18 =	vadd.bf16 v18, v32;
	v31 =	vld [tilespmem:$0x7C60]  }
0x6b: {  	s23 =	sshll.u32 s22, $0x1;
	v55 =	vld [tilespmem:$0x7C80];
	v23 =	vadd.bf16 v23, v29;
	v25 =	vadd.bf16 v25, v30  }
0x6c: {  	s23 =	sand.u32 $0x3FFFFFFE, s23;
	v30 =	vld [tilespmem:$0x7C70];
	v27 =	vadd.bf16 v27, v28;
	v28 =	vadd.bf16 v35, v33  }
0x6d: {  	v29 =	vld [tilespmem:s23+$0x9600];
	v16 =	vadd.bf16 v16, v18;
	v18 =	vadd.bf16 v36, v34  }
0x6e: {  	v17 =	vadd.bf16 v17, v23;
	v23 =	vadd.bf16 v37, v28;
	v28 =	vld [tilespmem:$0x7C90]  }
0x6f: {  	v24 =	vadd.bf16 v24, v25;
	v25 =	vld [tilespmem:$0x7CA0];
	v18 =	vadd.bf16 v38, v18  }
0x70: {  	v26 =	vadd.bf16 v26, v27;
	v23 =	vadd.bf16 v31, v23  }
0x71: {  	v31 =	vunpack.i.u.bf16.f32 v17;
	v17 =	vunpack.i.l.bf16.f32 v17;
	v18 =	vadd.bf16 v30, v18;
	v30 =	vld [tilespmem:$0x7CC0]  }
0x72: {  	v27 =	vld [tilespmem:$0x7CB0];
	v29 =	vcvt.s32.f32 v29;
	v17 =	vadd.f32 v17, v21;
	v21 =	vadd.bf16 v55, v23  }
0x73: {  	v18 =	vadd.bf16 v28, v18;
	v28 =	vld [tilespmem:$0x7CE0]  }
0x74: {  	(erf) = vrcp.f32 v29;
	v29 =	vunpack.i.l.bf16.f32 v24;
	v21 =	vadd.bf16 v25, v21  }
0x75: {  	v22 =	vadd.f32 v31, v22;
	v20 =	vadd.f32 v29, v20;
	v23 =	vld [tilespmem:$0x7CD0]  }
0x76: {  	v29 =	vunpack.i.l.bf16.f32 v16;
	v16 =	vunpack.i.u.bf16.f32 v16;
	v21 =	vadd.bf16 v30, v21  }
0x77: {  	v24 =	vunpack.i.u.bf16.f32 v24;
	v16 =	vadd.f32 v16, v22;
	v25 =	vld [tilespmem:$0x7CF0]  }
0x78: {  	v22 =	vunpack.i.l.bf16.f32 v26;
	v18 =	vadd.bf16 v27, v18;
	v21 =	vadd.bf16 v28, v21  }
0x79: {  	v19 =	vadd.f32 v24, v19;
	v20 =	vadd.f32 v22, v20  }
0x7a: {  	v18 =	vadd.bf16 v23, v18;
	v22 =	vunpack.i.u.bf16.f32 v21;
	v21 =	vunpack.i.l.bf16.f32 v21  }
0x7b: {  	s25 =	sshll.u32 s22, $0x7;
	v17 =	vadd.f32 v29, v17;
	v23 =	vunpack.i.u.bf16.f32 v26  }
0x7c: {  	v19 =	vadd.f32 v23, v19;
	v23 =	vor.u32 s25, v0;
	v18 =	vadd.bf16 v25, v18  }
0x7d: {  	v17 =	vadd.f32 v21, v17;
	v16 =	vadd.f32 v22, v16;
	v22 =	vand.u32 v1, v23;
	v21 =	vpop (erf)  }
0x7e: {  	v24 =	vor.u32 s25, v3;
	v23 =	vor.u32 s25, v2;
	v21 =	vbroadcast v21, $0x0  }
0x7f: {  	v24 =	vand.u32 v4, v24;
	v25 =	vunpack.i.u.bf16.f32 v18;
	v18 =	vunpack.i.l.bf16.f32 v18  }
0x80: {  	v18 =	vadd.f32 v18, v20;
	v20 =	vor.u32 s25, v5;
	v17 =	vmul.f32 v21, v17  }
0x81: {  	v19 =	vadd.f32 v25, v19;
	v16 =	vmul.f32 v21, v16  }
0x82: {  	s24 =	smul.u32 $0x640, s22;
	[tilespmem:v22+s19+$0x0] =	vst.idx.msk $0xffff, v17;
	v17 =	vmul.f32 v21, v18  }
0x83: {  	[tilespmem:v23+s19+$0x0] =	vst.idx.msk $0xffff, v16;
	v16 =	vmul.f32 v21, v19  }
0x84: {  	s24 =	sshra.s32 s24, $0x2;
	[tilespmem:v24+s19+$0x0] =	vst.idx.msk $0xffff, v17  }
0x85: {  	s26 =	sadd.s32 $0x190, s24;
	[tilespmem:v20+s19+$0x0] =	vst.idx.msk $0xffff, v16  }
0x86: {  	[tilespmem:s11], [sflag:$0x1] =	stream.indirect.gather [hbm4b:s3+s10], $0x20, s26, s10, $0xb8;
	[tilespmem:$0xB690] =	vst v63  }
0x87: {  	s31 =	sadd.s32 $0x1F8, s24  }
0x88: {  	[tilespmem:s13], [sflag:$0x1] =	stream.indirect.gather [hbm4b:s3+s12], $0x20, s31, s12, $0xb8;
	[tilespmem:$0xB690] =	vst v63  }
0x89: {  	_ =	swait.ge [sflag:s20], $0xD00  }
0x8a: {  	[sflag:s20] =	ssyncset.done $0x0  }
0x8b: {  	[sflag:s20] =	ssyncadd.s32 $0xFFFFF300  }
0x8c: {  	_ =	swait.ge [sflag:s20], $0xC00  }
0x8d: {  	[sflag:s20] =	ssyncset.done $0x0  }
0x8e: {  	s28 =	simm.s32 $0x7E00;
	[sflag:s20] =	ssyncadd.s32 $0xFFFFF400  }
0x8f: {  	v16 =	vld [tilespmem:s28+$0xE0]  }
0x90: {  	v17 =	vld [tilespmem:s28+$0xFFFFFFE0]  }
0x91: {  	v18 =	vld [tilespmem:s28+$0xC0]  }
0x92: {  	v19 =	vld [tilespmem:s28+$0xA0]  }
0x93: {  	v20 =	vld [tilespmem:s28+$0xFFFFFFA0]  }
0x94: {  	v21 =	vld [tilespmem:s28+$0x80]  }
0x95: {  	v22 =	vld [tilespmem:s28+$0xFFFFFF80]  }
0x96: {  	v23 =	vld [tilespmem:s28+$0x60]  }
0x97: {  	v24 =	vld [tilespmem:s28+$0xFFFFFF60]  }
0x98: {  	v25 =	vld [tilespmem:s28+$0x40]  }
0x99: {  	v26 =	vld [tilespmem:s28+$0xFFFFFF40]  }
0x9a: {  	v27 =	vld [tilespmem:s28+$0x0]  }
0x9b: {  	v28 =	vld [tilespmem:s28+$0x10]  }
0x9c: {  	v29 =	vld [tilespmem:s28+$0x20]  }
0x9d: {  	v30 =	vld [tilespmem:s28+$0xFFFFFF00]  }
0x9e: {  	v31 =	vld [tilespmem:s28+$0xFFFFFF10]  }
0x9f: {  	v56 =	vld [tilespmem:s28+$0xFFFFFF20]  }
0xa0: {  	v57 =	vld [tilespmem:s28+$0xFFFFFF30]  }
0xa1: {  	v58 =	vld [tilespmem:s28+$0x30]  }
0xa2: {  	v59 =	vld [tilespmem:s28+$0xFFFFFF50]  }
0xa3: {  	v60 =	vld [tilespmem:s28+$0x50]  }
0xa4: {  	v61 =	vld [tilespmem:s28+$0xFFFFFF70];
	v27 =	vadd.bf16 v29, v27  }
0xa5: {  	v29 =	vadd.bf16 v56, v30;
	v30 =	vadd.bf16 v57, v31;
	v31 =	vld [tilespmem:s28+$0x70]  }
0xa6: {  	v62 =	vld [tilespmem:s28+$0xFFFFFF90];
	v28 =	vadd.bf16 v58, v28;
	v25 =	vadd.bf16 v25, v27  }
0xa7: {  	v26 =	vadd.bf16 v26, v29;
	v27 =	vadd.bf16 v59, v30;
	v29 =	vld [tilespmem:s28+$0x90]  }
0xa8: {  	v63 =	vld [tilespmem:s28+$0xFFFFFFB0];
	v28 =	vadd.bf16 v60, v28;
	v25 =	vadd.bf16 v23, v25  }
0xa9: {  	v23 =	vld [tilespmem:s28+$0xFFFFFFC0];
	v24 =	vadd.bf16 v24, v26;
	v26 =	vadd.bf16 v61, v27  }
0xaa: {  	v27 =	vld [tilespmem:s28+$0xB0];
	v30 =	vadd.bf16 v31, v28;
	v21 =	vadd.bf16 v21, v25  }
0xab: {  	v25 =	vld [tilespmem:s28+$0xFFFFFFD0];
	v22 =	vadd.bf16 v22, v24;
	v26 =	vadd.bf16 v62, v26  }
0xac: {  	v28 =	vld [tilespmem:s28+$0xD0];
	v29 =	vadd.bf16 v29, v30;
	v30 =	vadd.bf16 v19, v21  }
0xad: {  	v24 =	vld [tilespmem:s28+$0xFFFFFFF0];
	v21 =	vimm.f32 $0.0e+00;
	v31 =	vadd.bf16 v20, v22;
	v32 =	vadd.bf16 v63, v26  }
0xae: {  	s26 =	simm.s32 $0x0;
	v26 =	vld [tilespmem:s28+$0xF0];
	s28 =	simm.s32 $0x8000;
	v22 =	vimm.f32 $0.0e+00;
	v20 =	vimm.f32 $0.0e+00;
	v19 =	vimm.f32 $0.0e+00  }
.LBB2_5:
0xaf: {  	v33 =	vld [tilespmem:s28+$0xE0];
	v27 =	vadd.bf16 v27, v29;
	v29 =	vadd.bf16 v18, v30  }
0xb0: {  	v30 =	vld [tilespmem:s28+$0xFFFFFFE0];
	v31 =	vadd.bf16 v23, v31;
	v25 =	vadd.bf16 v25, v32  }
0xb1: {  	v18 =	vld [tilespmem:s28+$0xC0];
	v27 =	vadd.bf16 v28, v27;
	v34 =	vadd.bf16 v16, v29  }
0xb2: {  	v23 =	vld [tilespmem:s28+$0xFFFFFFC0];
	v35 =	vadd.bf16 v17, v31;
	v24 =	vadd.bf16 v24, v25  }
0xb3: {  	v31 =	vld [tilespmem:s28+$0xA0];
	v25 =	vadd.bf16 v26, v27;
	v26 =	vunpack.i.u.bf16.f32 v34;
	v27 =	vunpack.i.l.bf16.f32 v34  }
0xb4: {  	v32 =	vld [tilespmem:s28+$0xFFFFFFA0];
	v28 =	vunpack.i.u.bf16.f32 v35;
	v34 =	vunpack.i.l.bf16.f32 v35;
	v29 =	vunpack.i.u.bf16.f32 v24;
	v16 =	vmovc v33  }
0xb5: {  	v24 =	vunpack.i.l.bf16.f32 v24;
	v33 =	vld [tilespmem:s28+$0x80];
	v21 =	vadd.f32 v34, v21;
	v22 =	vadd.f32 v28, v22;
	v17 =	vmovc v30  }
0xb6: {  	v20 =	vadd.f32 v24, v20;
	v19 =	vadd.f32 v29, v19;
	v24 =	vunpack.i.u.bf16.f32 v25;
	v28 =	vld [tilespmem:s28+$0xFFFFFF80]  }
0xb7: {  	v25 =	vunpack.i.l.bf16.f32 v25;
	v29 =	vld [tilespmem:s28+$0x60];
	v21 =	vadd.f32 v27, v21;
	v22 =	vadd.f32 v26, v22  }
0xb8: {  	v20 =	vadd.f32 v25, v20;
	v19 =	vadd.f32 v24, v19;
	v26 =	vld [tilespmem:s28+$0xFFFFFF60]  }
0xb9: {  	v24 =	vld [tilespmem:s28+$0x40]  }
0xba: {  	v25 =	vld [tilespmem:s28+$0xFFFFFF40]  }
0xbb: {  	v27 =	vld [tilespmem:s28+$0x0]  }
0xbc: {  	v30 =	vld [tilespmem:s28+$0x10]  }
0xbd: {  	v34 =	vld [tilespmem:s28+$0x20]  }
0xbe: {  	v35 =	vld [tilespmem:s28+$0xFFFFFF00]  }
0xbf: {  	v36 =	vld [tilespmem:s28+$0xFFFFFF10]  }
0xc0: {  	v37 =	vld [tilespmem:s28+$0xFFFFFF20]  }
0xc1: {  	v38 =	vld [tilespmem:s28+$0xFFFFFF30]  }
0xc2: {  	s26 =	sadd.s32 $0x2, s26;
	v39 =	vld [tilespmem:s28+$0x30]  }
0xc3: {  	p0 =	slt.u32 s26, $0x16;
	v40 =	vld [tilespmem:s28+$0xFFFFFF50]  }
0xc4: {  	v41 =	vld [tilespmem:s28+$0x50]  }
0xc5: {  	v27 =	vadd.bf16 v34, v27;
	v42 =	vld [tilespmem:s28+$0xFFFFFF70]  }
0xc6: {  	v34 =	vadd.bf16 v37, v35;
	v35 =	vadd.bf16 v38, v36;
	v36 =	vld [tilespmem:s28+$0x70]  }
0xc7: {  	v24 =	vadd.bf16 v24, v27;
	v37 =	vld [tilespmem:s28+$0xFFFFFF90];
	v30 =	vadd.bf16 v39, v30  }
0xc8: {  	v25 =	vadd.bf16 v25, v34;
	v27 =	vadd.bf16 v40, v35;
	v34 =	vld [tilespmem:s28+$0x90]  }
0xc9: {  	v24 =	vadd.bf16 v29, v24;
	v35 =	vld [tilespmem:s28+$0xFFFFFFB0];
	v30 =	vadd.bf16 v41, v30  }
.Ltmp1:
0xca: {  	v26 =	vadd.bf16 v26, v25;
	v29 =	vadd.bf16 v42, v27;
	v27 =	vld [tilespmem:s28+$0xB0];
	(pc) =	sbr.rel @p0 .LBB2_5-.Ltmp1, $4  }
0xcb: {  	v33 =	vadd.bf16 v33, v24;
	v25 =	vld [tilespmem:s28+$0xFFFFFFD0];
	v30 =	vadd.bf16 v36, v30  }
0xcc: {  	v26 =	vadd.bf16 v28, v26;
	v36 =	vadd.bf16 v37, v29;
	v28 =	vld [tilespmem:s28+$0xD0]  }
0xcd: {  	v24 =	vld [tilespmem:s28+$0xFFFFFFF0];
	v29 =	vadd.bf16 v34, v30;
	v30 =	vadd.bf16 v31, v33  }
0xce: {  	v31 =	vadd.bf16 v32, v26;
	v32 =	vadd.bf16 v35, v36;
	v26 =	vld [tilespmem:s28+$0xF0];
	s28 =	sadd.s32 $0x200, s28  }
0xcf: {  	v33 =	vld [tilespmem:$0x9500]  }
0xd0: {  	v34 =	vld [tilespmem:$0x9510]  }
0xd1: {  	v35 =	vld [tilespmem:$0x9520]  }
0xd2: {  	v36 =	vld [tilespmem:$0x9530]  }
0xd3: {  	v37 =	vld [tilespmem:$0x9540]  }
0xd4: {  	v38 =	vld [tilespmem:$0x9550]  }
0xd5: {  	v27 =	vadd.bf16 v27, v29;
	v18 =	vadd.bf16 v18, v30;
	v62 =	vld [tilespmem:s23+$0x9601]  }
0xd6: {  	v61 =	vld [tilespmem:$0x9560];
	v23 =	vadd.bf16 v23, v31;
	v25 =	vadd.bf16 v25, v32  }
0xd7: {  	v39 =	vld [tilespmem:$0x9570];
	v27 =	vadd.bf16 v28, v27;
	v63 =	vadd.bf16 v35, v33  }
0xd8: {  	v41 =	vld [tilespmem:$0x9580];
	s29 =	sor.u32 $0x40, s25;
	v16 =	vadd.bf16 v16, v18;
	v17 =	vadd.bf16 v17, v23  }
0xd9: {  	v43 =	vld [tilespmem:$0x9590];
	v58 =	vor.u32 s29, v0;
	v40 =	vadd.bf16 v36, v34;
	v42 =	vadd.bf16 v37, v63  }
0xda: {  	v44 =	vld [tilespmem:$0x95A0];
	v24 =	vadd.bf16 v24, v25;
	v26 =	vadd.bf16 v26, v27;
	v46 =	vcvt.s32.f32 v62  }
0xdb: {  	v45 =	vld [tilespmem:$0x95B0];
	v60 =	vand.u32 v6, v58;
	v18 =	vadd.bf16 v38, v40;
	v23 =	vadd.bf16 v61, v42  }
0xdc: {  	v48 =	vld [tilespmem:$0x95C0];
	v54 =	vunpack.i.l.bf16.f32 v16;
	v47 =	vunpack.i.u.bf16.f32 v17;
	(erf) = vrcp.f32 v46  }
0xdd: {  	v50 =	vld [tilespmem:$0x95D0];
	v17 =	vunpack.i.l.bf16.f32 v17;
	v18 =	vadd.bf16 v39, v18;
	v49 =	vadd.bf16 v41, v23  }
0xde: {  	v52 =	vld [tilespmem:$0x95E0];
	v51 =	vunpack.i.l.bf16.f32 v24;
	v17 =	vadd.f32 v17, v21;
	v22 =	vadd.f32 v47, v22  }
0xdf: {  	v24 =	vunpack.i.u.bf16.f32 v24;
	v18 =	vadd.bf16 v43, v18;
	v21 =	vadd.bf16 v44, v49  }
0xe0: {  	v53 =	vld [tilespmem:$0x95F0];
	v16 =	vunpack.i.u.bf16.f32 v16;
	v20 =	vadd.f32 v51, v20;
	v19 =	vadd.f32 v24, v19  }
0xe1: {  	v62 =	vor.u32 s29, v3;
	v18 =	vadd.bf16 v45, v18;
	v21 =	vadd.bf16 v48, v21  }
0xe2: {  	v55 =	vunpack.i.l.bf16.f32 v26;
	v17 =	vadd.f32 v54, v17;
	v16 =	vadd.f32 v16, v22  }
0xe3: {  	v56 =	vunpack.i.u.bf16.f32 v26;
	v18 =	vadd.bf16 v50, v18;
	v21 =	vadd.bf16 v52, v21  }
0xe4: {  	v24 =	vand.u32 v7, v62;
	v20 =	vadd.f32 v55, v20;
	v19 =	vadd.f32 v56, v19  }
0xe5: {  	v59 =	vpop (erf);
	v18 =	vadd.bf16 v53, v18;
	v57 =	vunpack.i.u.bf16.f32 v21;
	v21 =	vunpack.i.l.bf16.f32 v21  }
0xe6: {  	v61 =	vor.u32 s29, v2;
	v17 =	vadd.f32 v21, v17;
	v21 =	vbroadcast v59, $0x0  }
0xe7: {  	v25 =	vunpack.i.u.bf16.f32 v18;
	v18 =	vunpack.i.l.bf16.f32 v18;
	v16 =	vadd.f32 v57, v16  }
0xe8: {  	v63 =	vor.u32 s29, v5;
	v18 =	vadd.f32 v18, v20;
	v17 =	vmul.f32 v21, v17  }
0xe9: {  	v19 =	vadd.f32 v25, v19;
	v16 =	vmul.f32 v21, v16  }
0xea: {  	s22 =	sadd.s32 $0x1, s22;
	[tilespmem:v60+s19+$0x0] =	vst.idx.msk $0xffff, v17;
	v17 =	vmul.f32 v21, v18  }
0xeb: {  	p0 =	sne.s32 s22, $0x3F;
	[tilespmem:v61+s19+$0x0] =	vst.idx.msk $0xffff, v16;
	v16 =	vmul.f32 v21, v19  }
.Ltmp2:
0xec: {  	[tilespmem:v24+s19+$0x0] =	vst.idx.msk $0xffff, v17;
	(pc) =	sbr.rel @p0 .LBB2_2-.Ltmp2, $4  }
0xed: {  	s30 =	sadd.s32 $0x258, s24;
	[tilespmem:v63+s19+$0x0] =	vst.idx.msk $0xffff, v16  }
0xee: {  	[tilespmem:s15], [sflag:$0x2] =	stream.indirect.gather [hbm4b:s3+s10], $0x20, s30, s10, $0xb8;
	[tilespmem:$0xB690] =	vst v63  }
0xef: {  	s31 =	sadd.s32 $0x2C0, s24  }
0xf0: {  	[tilespmem:s17], [sflag:$0x2] =	stream.indirect.gather [hbm4b:s3+s12], $0x20, s31, s12, $0xb8;
	[tilespmem:$0xB690] =	vst v63  }
0xf1: {  	_ =	swait.ge [sflag:s18], $0xD00  }
0xf2: {  	[sflag:s18] =	ssyncset.done $0x0  }
0xf3: {  	[sflag:s18] =	ssyncadd.s32 $0xFFFFF300  }
0xf4: {  	_ =	swait.ge [sflag:s18], $0xC00  }
0xf5: {  	[sflag:s18] =	ssyncset.done $0x0  }
0xf6: {  	s23 =	simm.s32 $0x6500;
	[sflag:s18] =	ssyncadd.s32 $0xFFFFF400  }
0xf7: {  	v17 =	vld [tilespmem:s23+$0xE0]  }
0xf8: {  	v16 =	vld [tilespmem:s23+$0xFFFFFFE0]  }
0xf9: {  	v18 =	vld [tilespmem:s23+$0xC0]  }
0xfa: {  	v19 =	vld [tilespmem:s23+$0xA0]  }
0xfb: {  	v20 =	vld [tilespmem:s23+$0xFFFFFFA0]  }
0xfc: {  	v21 =	vld [tilespmem:s23+$0x80]  }
0xfd: {  	v22 =	vld [tilespmem:s23+$0xFFFFFF80]  }
0xfe: {  	v23 =	vld [tilespmem:s23+$0x60]  }
0xff: {  	v24 =	vld [tilespmem:s23+$0xFFFFFF60]  }
0x100: {  	v25 =	vld [tilespmem:s23+$0x40]  }
0x101: {  	v26 =	vld [tilespmem:s23+$0xFFFFFF40]  }
0x102: {  	v27 =	vld [tilespmem:s23+$0x0]  }
0x103: {  	v28 =	vld [tilespmem:s23+$0x10]  }
0x104: {  	v29 =	vld [tilespmem:s23+$0x20]  }
0x105: {  	v30 =	vld [tilespmem:s23+$0xFFFFFF00]  }
0x106: {  	v31 =	vld [tilespmem:s23+$0xFFFFFF10]  }
0x107: {  	v32 =	vld [tilespmem:s23+$0xFFFFFF20]  }
0x108: {  	v33 =	vld [tilespmem:s23+$0xFFFFFF30]  }
0x109: {  	v34 =	vld [tilespmem:s23+$0x30]  }
0x10a: {  	v35 =	vld [tilespmem:s23+$0xFFFFFF50]  }
0x10b: {  	v36 =	vld [tilespmem:s23+$0x50]  }
0x10c: {  	v37 =	vld [tilespmem:s23+$0xFFFFFF70];
	v27 =	vadd.bf16 v29, v27  }
0x10d: {  	v29 =	vadd.bf16 v32, v30;
	v30 =	vadd.bf16 v33, v31;
	v31 =	vld [tilespmem:s23+$0x70]  }
0x10e: {  	v62 =	vld [tilespmem:s23+$0xFFFFFF90];
	v28 =	vadd.bf16 v34, v28;
	v25 =	vadd.bf16 v25, v27  }
0x10f: {  	v26 =	vadd.bf16 v26, v29;
	v27 =	vadd.bf16 v35, v30;
	v29 =	vld [tilespmem:s23+$0x90]  }
0x110: {  	v30 =	vld [tilespmem:s23+$0xFFFFFFB0];
	v63 =	vadd.bf16 v36, v28;
	v25 =	vadd.bf16 v23, v25  }
0x111: {  	v28 =	vld [tilespmem:s23+$0xB0];
	v24 =	vadd.bf16 v24, v26;
	v27 =	vadd.bf16 v37, v27  }
0x112: {  	v23 =	vld [tilespmem:s23+$0xFFFFFFC0];
	v31 =	vadd.bf16 v31, v63;
	v21 =	vadd.bf16 v21, v25  }
0x113: {  	v26 =	vld [tilespmem:s23+$0xFFFFFFD0];
	v22 =	vadd.bf16 v22, v24;
	v25 =	vadd.bf16 v62, v27  }
0x114: {  	v27 =	vld [tilespmem:s23+$0xD0];
	v32 =	vadd.bf16 v29, v31;
	v31 =	vadd.bf16 v19, v21  }
0x115: {  	v24 =	vld [tilespmem:s23+$0xFFFFFFF0];
	v19 =	vimm.f32 $0.0e+00;
	v29 =	vadd.bf16 v20, v22;
	v30 =	vadd.bf16 v30, v25  }
0x116: {  	s22 =	simm.s32 $0x0;
	v25 =	vld [tilespmem:s23+$0xF0];
	s23 =	simm.s32 $0x6700;
	v22 =	vimm.f32 $0.0e+00;
	v20 =	vimm.f32 $0.0e+00;
	v21 =	vimm.f32 $0.0e+00  }
.LBB2_8:
0x117: {  	v33 =	vld [tilespmem:s23+$0xE0];
	v28 =	vadd.bf16 v28, v32;
	v31 =	vadd.bf16 v18, v31  }
0x118: {  	v32 =	vld [tilespmem:s23+$0xFFFFFFE0];
	v29 =	vadd.bf16 v23, v29;
	v26 =	vadd.bf16 v26, v30  }
0x119: {  	v18 =	vld [tilespmem:s23+$0xC0];
	v27 =	vadd.bf16 v27, v28;
	v34 =	vadd.bf16 v17, v31  }
0x11a: {  	v23 =	vld [tilespmem:s23+$0xFFFFFFC0];
	v35 =	vadd.bf16 v16, v29;
	v24 =	vadd.bf16 v24, v26  }
0x11b: {  	v29 =	vld [tilespmem:s23+$0xA0];
	v25 =	vadd.bf16 v25, v27;
	v26 =	vunpack.i.u.bf16.f32 v34;
	v27 =	vunpack.i.l.bf16.f32 v34  }
0x11c: {  	v30 =	vld [tilespmem:s23+$0xFFFFFFA0];
	v28 =	vunpack.i.u.bf16.f32 v35;
	v34 =	vunpack.i.l.bf16.f32 v35;
	v31 =	vunpack.i.u.bf16.f32 v24;
	v17 =	vmovc v33  }
0x11d: {  	v24 =	vunpack.i.l.bf16.f32 v24;
	v33 =	vld [tilespmem:s23+$0x80];
	v19 =	vadd.f32 v34, v19;
	v22 =	vadd.f32 v28, v22;
	v16 =	vmovc v32  }
0x11e: {  	v20 =	vadd.f32 v24, v20;
	v21 =	vadd.f32 v31, v21;
	v24 =	vunpack.i.u.bf16.f32 v25;
	v32 =	vld [tilespmem:s23+$0xFFFFFF80]  }
0x11f: {  	v25 =	vunpack.i.l.bf16.f32 v25;
	v28 =	vld [tilespmem:s23+$0x60];
	v19 =	vadd.f32 v27, v19;
	v22 =	vadd.f32 v26, v22  }
0x120: {  	v20 =	vadd.f32 v25, v20;
	v21 =	vadd.f32 v24, v21;
	v26 =	vld [tilespmem:s23+$0xFFFFFF60]  }
0x121: {  	v24 =	vld [tilespmem:s23+$0x40]  }
0x122: {  	v25 =	vld [tilespmem:s23+$0xFFFFFF40]  }
0x123: {  	v27 =	vld [tilespmem:s23+$0x0]  }
0x124: {  	v31 =	vld [tilespmem:s23+$0x10]  }
0x125: {  	v34 =	vld [tilespmem:s23+$0x20]  }
0x126: {  	v35 =	vld [tilespmem:s23+$0xFFFFFF00]  }
0x127: {  	v36 =	vld [tilespmem:s23+$0xFFFFFF10]  }
0x128: {  	v37 =	vld [tilespmem:s23+$0xFFFFFF20]  }
0x129: {  	v38 =	vld [tilespmem:s23+$0xFFFFFF30]  }
0x12a: {  	s22 =	sadd.s32 $0x2, s22;
	v39 =	vld [tilespmem:s23+$0x30]  }
0x12b: {  	p0 =	slt.u32 s22, $0x16;
	v40 =	vld [tilespmem:s23+$0xFFFFFF50]  }
0x12c: {  	v41 =	vld [tilespmem:s23+$0x50]  }
0x12d: {  	v27 =	vadd.bf16 v34, v27;
	v42 =	vld [tilespmem:s23+$0xFFFFFF70]  }
0x12e: {  	v34 =	vadd.bf16 v37, v35;
	v35 =	vadd.bf16 v38, v36;
	v36 =	vld [tilespmem:s23+$0x70]  }
0x12f: {  	v24 =	vadd.bf16 v24, v27;
	v37 =	vld [tilespmem:s23+$0xFFFFFF90];
	v31 =	vadd.bf16 v39, v31  }
0x130: {  	v25 =	vadd.bf16 v25, v34;
	v27 =	vadd.bf16 v40, v35;
	v34 =	vld [tilespmem:s23+$0x90]  }
0x131: {  	v24 =	vadd.bf16 v28, v24;
	v35 =	vld [tilespmem:s23+$0xFFFFFFB0];
	v31 =	vadd.bf16 v41, v31  }
.Ltmp3:
0x132: {  	v25 =	vadd.bf16 v26, v25;
	v27 =	vadd.bf16 v42, v27;
	v28 =	vld [tilespmem:s23+$0xB0];
	(pc) =	sbr.rel @p0 .LBB2_8-.Ltmp3, $4  }
0x133: {  	v33 =	vadd.bf16 v33, v24;
	v26 =	vld [tilespmem:s23+$0xFFFFFFD0];
	v31 =	vadd.bf16 v36, v31  }
0x134: {  	v25 =	vadd.bf16 v32, v25;
	v36 =	vadd.bf16 v37, v27;
	v27 =	vld [tilespmem:s23+$0xD0]  }
0x135: {  	v24 =	vld [tilespmem:s23+$0xFFFFFFF0];
	v32 =	vadd.bf16 v34, v31;
	v31 =	vadd.bf16 v29, v33  }
0x136: {  	v29 =	vadd.bf16 v30, v25;
	v30 =	vadd.bf16 v35, v36;
	v25 =	vld [tilespmem:s23+$0xF0];
	s23 =	sadd.s32 $0x200, s23  }
0x137: {  	v33 =	vld [tilespmem:$0x7C00]  }
0x138: {  	v34 =	vld [tilespmem:$0x7C10]  }
0x139: {  	v35 =	vld [tilespmem:$0x7C20]  }
0x13a: {  	v36 =	vld [tilespmem:$0x7C30]  }
0x13b: {  	v37 =	vld [tilespmem:$0x7C40]  }
0x13c: {  	v38 =	vld [tilespmem:$0x7C50]  }
0x13d: {  	v39 =	vld [tilespmem:$0x967E]  }
0x13e: {  	v28 =	vadd.bf16 v28, v32;
	v52 =	vld [tilespmem:$0x7C60];
	v18 =	vadd.bf16 v18, v31  }
0x13f: {  	v53 =	vld [tilespmem:$0x7C70];
	v23 =	vadd.bf16 v23, v29;
	v31 =	vadd.bf16 v35, v33  }
0x140: {  	v26 =	vadd.bf16 v26, v30;
	v29 =	vld [tilespmem:$0x7C80];
	v30 =	vadd.bf16 v36, v34  }
0x141: {  	v54 =	vld [tilespmem:$0x7C90];
	v27 =	vadd.bf16 v27, v28;
	v31 =	vadd.bf16 v37, v31  }
0x142: {  	v55 =	vld [tilespmem:$0x7CB0];
	v17 =	vadd.bf16 v17, v18;
	v30 =	vadd.bf16 v38, v30  }
0x143: {  	v18 =	vld [tilespmem:$0x7CA0];
	v16 =	vadd.bf16 v16, v23;
	v28 =	vcvt.s32.f32 v39;
	v31 =	vadd.bf16 v52, v31  }
0x144: {  	v23 =	vadd.bf16 v24, v26;
	v24 =	vld [tilespmem:$0x7CC0];
	v26 =	vadd.bf16 v53, v30  }
0x145: {  	(erf) = vrcp.f32 v28;
	v28 =	vadd.bf16 v29, v31;
	v29 =	vld [tilespmem:$0x7CD0]  }
0x146: {  	v30 =	vunpack.i.u.bf16.f32 v16;
	v16 =	vunpack.i.l.bf16.f32 v16;
	v26 =	vadd.bf16 v54, v26  }
0x147: {  	v25 =	vadd.bf16 v25, v27;
	v27 =	vunpack.i.u.bf16.f32 v17;
	v16 =	vadd.f32 v16, v19;
	v31 =	vld [tilespmem:$0x7CE0]  }
0x148: {  	v17 =	vunpack.i.l.bf16.f32 v17;
	v18 =	vadd.bf16 v18, v28;
	v26 =	vadd.bf16 v55, v26  }
0x149: {  	v19 =	vadd.f32 v30, v22;
	v22 =	vld [tilespmem:$0x7CF0];
	v16 =	vadd.f32 v17, v16  }
0x14a: {  	v18 =	vadd.bf16 v24, v18;
	v24 =	vadd.bf16 v29, v26  }
0x14b: {  	v17 =	vadd.f32 v27, v19;
	v28 =	vunpack.i.u.bf16.f32 v23;
	v23 =	vunpack.i.l.bf16.f32 v23  }
0x14c: {  	v20 =	vadd.f32 v23, v20;
	v18 =	vadd.bf16 v31, v18  }
0x14d: {  	v19 =	vunpack.i.l.bf16.f32 v25;
	v21 =	vadd.f32 v28, v21;
	v23 =	vunpack.i.u.bf16.f32 v25  }
0x14e: {  	v19 =	vadd.f32 v19, v20;
	v20 =	vadd.bf16 v22, v24;
	v22 =	vunpack.i.l.bf16.f32 v18;
	v24 =	vpop (erf)  }
0x14f: {  	v18 =	vunpack.i.u.bf16.f32 v18;
	v16 =	vadd.f32 v22, v16;
	v22 =	vbroadcast v24, $0x0  }
0x150: {  	v21 =	vadd.f32 v23, v21;
	v17 =	vadd.f32 v18, v17;
	v18 =	vunpack.i.l.bf16.f32 v20  }
0x151: {  	v20 =	vunpack.i.u.bf16.f32 v20;
	v18 =	vadd.f32 v18, v19;
	v16 =	vmul.f32 v22, v16  }
0x152: {  	v19 =	vadd.f32 v20, v21;
	v17 =	vmul.f32 v22, v17  }
0x153: {  	[tilespmem:v8+s19+$0x0] =	vst.idx.msk $0xffff, v16;
	v16 =	vmul.f32 v22, v18  }
0x154: {  	[tilespmem:v9+s19+$0x0] =	vst.idx.msk $0xffff, v17;
	v17 =	vmul.f32 v22, v19  }
0x155: {  	[tilespmem:v10+s19+$0x0] =	vst.idx.msk $0xffff, v16  }
0x156: {  	[tilespmem:v11+s19+$0x0] =	vst.idx.msk $0xffff, v17  }
0x157: {  	_ =	swait.ge [sflag:s20], $0xD00  }
0x158: {  	[sflag:s20] =	ssyncset.done $0x0  }
0x159: {  	[sflag:s20] =	ssyncadd.s32 $0xFFFFF300  }
0x15a: {  	_ =	swait.ge [sflag:s20], $0xC00  }
0x15b: {  	[sflag:s20] =	ssyncset.done $0x0  }
0x15c: {  	s23 =	simm.s32 $0x7E00;
	[sflag:s20] =	ssyncadd.s32 $0xFFFFF400  }
0x15d: {  	v16 =	vld [tilespmem:s23+$0xE0]  }
0x15e: {  	v17 =	vld [tilespmem:s23+$0xFFFFFFE0]  }
0x15f: {  	v18 =	vld [tilespmem:s23+$0xC0]  }
0x160: {  	v19 =	vld [tilespmem:s23+$0xA0]  }
0x161: {  	v20 =	vld [tilespmem:s23+$0xFFFFFFA0]  }
0x162: {  	v21 =	vld [tilespmem:s23+$0x80]  }
0x163: {  	v22 =	vld [tilespmem:s23+$0xFFFFFF80]  }
0x164: {  	v23 =	vld [tilespmem:s23+$0x60]  }
0x165: {  	v24 =	vld [tilespmem:s23+$0xFFFFFF60]  }
0x166: {  	v25 =	vld [tilespmem:s23+$0x40]  }
0x167: {  	v26 =	vld [tilespmem:s23+$0xFFFFFF40]  }
0x168: {  	v27 =	vld [tilespmem:s23+$0x0]  }
0x169: {  	v28 =	vld [tilespmem:s23+$0x10]  }
0x16a: {  	v29 =	vld [tilespmem:s23+$0x20]  }
0x16b: {  	v30 =	vld [tilespmem:s23+$0xFFFFFF00]  }
0x16c: {  	v31 =	vld [tilespmem:s23+$0xFFFFFF10]  }
0x16d: {  	v56 =	vld [tilespmem:s23+$0xFFFFFF20]  }
0x16e: {  	v57 =	vld [tilespmem:s23+$0xFFFFFF30]  }
0x16f: {  	v58 =	vld [tilespmem:s23+$0x30]  }
0x170: {  	v59 =	vld [tilespmem:s23+$0xFFFFFF50]  }
0x171: {  	v60 =	vld [tilespmem:s23+$0x50]  }
0x172: {  	v61 =	vld [tilespmem:s23+$0xFFFFFF70];
	v27 =	vadd.bf16 v29, v27  }
0x173: {  	v29 =	vadd.bf16 v56, v30;
	v30 =	vadd.bf16 v57, v31;
	v31 =	vld [tilespmem:s23+$0x70]  }
0x174: {  	v62 =	vld [tilespmem:s23+$0xFFFFFF90];
	v28 =	vadd.bf16 v58, v28;
	v25 =	vadd.bf16 v25, v27  }
0x175: {  	v26 =	vadd.bf16 v26, v29;
	v27 =	vadd.bf16 v59, v30;
	v29 =	vld [tilespmem:s23+$0x90]  }
0x176: {  	v63 =	vld [tilespmem:s23+$0xFFFFFFB0];
	v30 =	vadd.bf16 v60, v28;
	v25 =	vadd.bf16 v23, v25  }
0x177: {  	v28 =	vld [tilespmem:s23+$0xB0];
	v24 =	vadd.bf16 v24, v26;
	v27 =	vadd.bf16 v61, v27  }
0x178: {  	v23 =	vld [tilespmem:s23+$0xFFFFFFC0];
	v30 =	vadd.bf16 v31, v30;
	v21 =	vadd.bf16 v21, v25  }
0x179: {  	v26 =	vld [tilespmem:s23+$0xFFFFFFD0];
	v22 =	vadd.bf16 v22, v24;
	v25 =	vadd.bf16 v62, v27  }
0x17a: {  	v27 =	vld [tilespmem:s23+$0xD0];
	v32 =	vadd.bf16 v29, v30;
	v31 =	vadd.bf16 v19, v21  }
0x17b: {  	v24 =	vld [tilespmem:s23+$0xFFFFFFF0];
	v19 =	vimm.f32 $0.0e+00;
	v30 =	vadd.bf16 v20, v22;
	v29 =	vadd.bf16 v63, v25  }
0x17c: {  	s22 =	simm.s32 $0x0;
	v25 =	vld [tilespmem:s23+$0xF0];
	s23 =	simm.s32 $0x8000;
	v22 =	vimm.f32 $0.0e+00;
	v20 =	vimm.f32 $0.0e+00;
	v21 =	vimm.f32 $0.0e+00  }
.LBB2_10:
0x17d: {  	v33 =	vld [tilespmem:s23+$0xE0];
	v28 =	vadd.bf16 v28, v32;
	v31 =	vadd.bf16 v18, v31  }
0x17e: {  	v32 =	vld [tilespmem:s23+$0xFFFFFFE0];
	v30 =	vadd.bf16 v23, v30;
	v26 =	vadd.bf16 v26, v29  }
0x17f: {  	v18 =	vld [tilespmem:s23+$0xC0];
	v27 =	vadd.bf16 v27, v28;
	v34 =	vadd.bf16 v16, v31  }
0x180: {  	v23 =	vld [tilespmem:s23+$0xFFFFFFC0];
	v35 =	vadd.bf16 v17, v30;
	v24 =	vadd.bf16 v24, v26  }
0x181: {  	v29 =	vld [tilespmem:s23+$0xA0];
	v25 =	vadd.bf16 v25, v27;
	v26 =	vunpack.i.u.bf16.f32 v34;
	v27 =	vunpack.i.l.bf16.f32 v34  }
0x182: {  	v30 =	vld [tilespmem:s23+$0xFFFFFFA0];
	v28 =	vunpack.i.u.bf16.f32 v35;
	v34 =	vunpack.i.l.bf16.f32 v35;
	v31 =	vunpack.i.u.bf16.f32 v24;
	v16 =	vmovc v33  }
0x183: {  	v24 =	vunpack.i.l.bf16.f32 v24;
	v33 =	vld [tilespmem:s23+$0x80];
	v19 =	vadd.f32 v34, v19;
	v22 =	vadd.f32 v28, v22;
	v17 =	vmovc v32  }
0x184: {  	v20 =	vadd.f32 v24, v20;
	v21 =	vadd.f32 v31, v21;
	v24 =	vunpack.i.u.bf16.f32 v25;
	v32 =	vld [tilespmem:s23+$0xFFFFFF80]  }
0x185: {  	v25 =	vunpack.i.l.bf16.f32 v25;
	v28 =	vld [tilespmem:s23+$0x60];
	v19 =	vadd.f32 v27, v19;
	v22 =	vadd.f32 v26, v22  }
0x186: {  	v20 =	vadd.f32 v25, v20;
	v21 =	vadd.f32 v24, v21;
	v26 =	vld [tilespmem:s23+$0xFFFFFF60]  }
0x187: {  	v24 =	vld [tilespmem:s23+$0x40]  }
0x188: {  	v25 =	vld [tilespmem:s23+$0xFFFFFF40]  }
0x189: {  	v27 =	vld [tilespmem:s23+$0x0]  }
0x18a: {  	v31 =	vld [tilespmem:s23+$0x10]  }
0x18b: {  	v34 =	vld [tilespmem:s23+$0x20]  }
0x18c: {  	v35 =	vld [tilespmem:s23+$0xFFFFFF00]  }
0x18d: {  	v36 =	vld [tilespmem:s23+$0xFFFFFF10]  }
0x18e: {  	v37 =	vld [tilespmem:s23+$0xFFFFFF20]  }
0x18f: {  	v38 =	vld [tilespmem:s23+$0xFFFFFF30]  }
0x190: {  	s22 =	sadd.s32 $0x2, s22;
	v39 =	vld [tilespmem:s23+$0x30]  }
0x191: {  	p0 =	slt.u32 s22, $0x16;
	v40 =	vld [tilespmem:s23+$0xFFFFFF50]  }
0x192: {  	v41 =	vld [tilespmem:s23+$0x50]  }
0x193: {  	v27 =	vadd.bf16 v34, v27;
	v42 =	vld [tilespmem:s23+$0xFFFFFF70]  }
0x194: {  	v34 =	vadd.bf16 v37, v35;
	v35 =	vadd.bf16 v38, v36;
	v36 =	vld [tilespmem:s23+$0x70]  }
0x195: {  	v24 =	vadd.bf16 v24, v27;
	v37 =	vld [tilespmem:s23+$0xFFFFFF90];
	v31 =	vadd.bf16 v39, v31  }
0x196: {  	v25 =	vadd.bf16 v25, v34;
	v27 =	vadd.bf16 v40, v35;
	v34 =	vld [tilespmem:s23+$0x90]  }
0x197: {  	v24 =	vadd.bf16 v28, v24;
	v35 =	vld [tilespmem:s23+$0xFFFFFFB0];
	v31 =	vadd.bf16 v41, v31  }
.Ltmp4:
0x198: {  	v25 =	vadd.bf16 v26, v25;
	v27 =	vadd.bf16 v42, v27;
	v28 =	vld [tilespmem:s23+$0xB0];
	(pc) =	sbr.rel @p0 .LBB2_10-.Ltmp4, $4  }
0x199: {  	v33 =	vadd.bf16 v33, v24;
	v26 =	vld [tilespmem:s23+$0xFFFFFFD0];
	v31 =	vadd.bf16 v36, v31  }
0x19a: {  	v25 =	vadd.bf16 v32, v25;
	v36 =	vadd.bf16 v37, v27;
	v27 =	vld [tilespmem:s23+$0xD0]  }
0x19b: {  	v24 =	vld [tilespmem:s23+$0xFFFFFFF0];
	v32 =	vadd.bf16 v34, v31;
	v31 =	vadd.bf16 v29, v33  }
0x19c: {  	v30 =	vadd.bf16 v30, v25;
	v29 =	vadd.bf16 v35, v36;
	v25 =	vld [tilespmem:s23+$0xF0];
	s23 =	sadd.s32 $0x200, s23  }
0x19d: {  	v33 =	vld [tilespmem:$0x9500]  }
0x19e: {  	v34 =	vld [tilespmem:$0x9510]  }
0x19f: {  	v35 =	vld [tilespmem:$0x9520]  }
0x1a0: {  	v36 =	vld [tilespmem:$0x9530]  }
0x1a1: {  	v37 =	vld [tilespmem:$0x9540]  }
0x1a2: {  	v38 =	vld [tilespmem:$0x9550]  }
0x1a3: {  	v39 =	vld [tilespmem:$0x967F]  }
0x1a4: {  	v28 =	vadd.bf16 v28, v32;
	v60 =	vld [tilespmem:$0x9560]  }
0x1a5: {  	v18 =	vadd.bf16 v18, v31;
	v62 =	vld [tilespmem:$0x9570];
	v61 =	vadd.bf16 v35, v33  }
0x1a6: {  	v23 =	vadd.bf16 v23, v30;
	v63 =	vadd.bf16 v36, v34;
	v36 =	vld [tilespmem:$0x9580]  }
0x1a7: {  	v41 =	vld [tilespmem:$0x9590];
	v26 =	vadd.bf16 v26, v29;
	v40 =	vadd.bf16 v37, v61  }
0x1a8: {  	v43 =	vld [tilespmem:$0x95A0];
	v27 =	vadd.bf16 v27, v28;
	v16 =	vadd.bf16 v16, v18;
	v44 =	vcvt.s32.f32 v39  }
0x1a9: {  	v46 =	vld [tilespmem:$0x95B0];
	v42 =	vadd.bf16 v38, v63;
	v45 =	vadd.bf16 v60, v40  }
0x1aa: {  	v48 =	vld [tilespmem:$0x95C0];
	v17 =	vadd.bf16 v17, v23;
	v24 =	vadd.bf16 v24, v26;
	(erf) = vrcp.f32 v44  }
0x1ab: {  	v49 =	vld [tilespmem:$0x95D0];
	v47 =	vadd.bf16 v62, v42;
	v18 =	vadd.bf16 v36, v45  }
0x1ac: {  	v51 =	vld [tilespmem:$0x95E0];
	v25 =	vadd.bf16 v25, v27;
	v50 =	vunpack.i.u.bf16.f32 v16;
	v52 =	vunpack.i.u.bf16.f32 v17  }
0x1ad: {  	v17 =	vunpack.i.l.bf16.f32 v17;
	v23 =	vadd.bf16 v41, v47;
	v18 =	vadd.bf16 v43, v18  }
0x1ae: {  	v55 =	vld [tilespmem:$0x95F0];
	v53 =	vunpack.i.u.bf16.f32 v24;
	v17 =	vadd.f32 v17, v19;
	v54 =	vadd.f32 v52, v22  }
0x1af: {  	v24 =	vunpack.i.l.bf16.f32 v24;
	v23 =	vadd.bf16 v46, v23;
	v18 =	vadd.bf16 v48, v18  }
0x1b0: {  	v16 =	vunpack.i.l.bf16.f32 v16;
	v20 =	vadd.f32 v24, v20;
	v21 =	vadd.f32 v53, v21  }
0x1b1: {  	v56 =	vunpack.i.u.bf16.f32 v25;
	v23 =	vadd.bf16 v49, v23;
	v18 =	vadd.bf16 v51, v18  }
0x1b2: {  	v57 =	vunpack.i.l.bf16.f32 v25;
	v16 =	vadd.f32 v16, v17;
	v17 =	vadd.f32 v50, v54  }
0x1b3: {  	v19 =	vadd.f32 v57, v20;
	v60 =	vpop (erf);
	v58 =	vadd.bf16 v55, v23;
	v59 =	vunpack.i.l.bf16.f32 v18  }
0x1b4: {  	v61 =	vbroadcast v60, $0x0;
	v18 =	vunpack.i.u.bf16.f32 v18;
	v16 =	vadd.f32 v59, v16  }
0x1b5: {  	v21 =	vadd.f32 v56, v21;
	v62 =	vunpack.i.l.bf16.f32 v58;
	v17 =	vadd.f32 v18, v17  }
0x1b6: {  	v20 =	vunpack.i.u.bf16.f32 v58;
	v18 =	vadd.f32 v62, v19;
	v16 =	vmul.f32 v61, v16  }
0x1b7: {  	v63 =	vadd.f32 v20, v21;
	v17 =	vmul.f32 v61, v17  }
0x1b8: {  	[tilespmem:v12+s19+$0x0] =	vst.idx.msk $0xffff, v16;
	v16 =	vmul.f32 v61, v18  }
0x1b9: {  	s21 =	sadd.s32 $0x1, s21;
	[tilespmem:v13+s19+$0x0] =	vst.idx.msk $0xffff, v17;
	v17 =	vmul.f32 v61, v63  }
0x1ba: {  	p0 =	sne.s32 s21, s7;
	[tilespmem:v14+s19+$0x0] =	vst.idx.msk $0xffff, v16  }
.Ltmp5:
0x1bb: {  	[tilespmem:v15+s19+$0x0] =	vst.idx.msk $0xffff, v17;
	(pc) =	sbr.rel @p0 .LBB2_1-.Ltmp5, $4  }
0x1bc: {  	[hbm4b:s6+s2] =	stream.linear.scatter [tilespmem:s19], [sflag:$0x3], $0x2000, $0x38;
	[tilespmem:$0xB690] =	vst v63  }
0x1bd: {  	_ =	swait.ge [sflag:s8], $0x2000  }
0x1be: {  	[sflag:s8] =	ssyncset.done $0x0  }
0x1bf: {  	[sflag:s8] =	ssyncadd.s32 $0xFFFFE000  }
0x1c0: {  	_ =	sfence.sel $0x180000  }
0x1c1: {  	[bflag:$0x0] =	sbarrier.arrive $0xFFFF  }
0x1c2: {  	p0 =	sne.s32 s0, $0x0;
	_ =	strace $0x90000047  }
0x1c3: {  	s0 =	sadd.s32 @!p0 $0x100000, s1;
	[bflag:$0x2] =	sbarrier.arrive $0xFFFF  }
0x1c4: {  	[sflag:s0] =	ssyncadd.tile.s32 @!p0 $0x1;
	_ =	shalt  }
.Lfunc_end2:
_tile_overlayer_lowered:
.L_overlay_start_2:
0x1c5: {  	(tag) =	ssettag $0x2  }
0x1c6: {  	s0 =	rddreg [dreg:$0x0];
	s2 =	stileid.u32  }
0x1c7: {  	s1 =	rddreg [dreg:$0x1];
	p0 =	sne.s32 s2, $0x0  }
0x1c8: {  	s3 =	rddreg [dreg:$0x2];
	[bflag:$0x3] =	sbarrier.arrive $0xFFFF;
	s2 =	simm.s32 @!p0 $0x1C03  }
0x1c9: {  	[timem:s3], [sflag:s2] =	dma.local @!p0 [hbm:s0], s1  }
0x1ca: {  	s0 =	simm.s32 @!p0 $0x3  }
0x1cb: {  	_ =	swait.ge @!p0 [sflag:s0], s1  }
0x1cc: {  	s1 =	ssub.s32 @!p0 $0x0, s1;
	[sflag:s0] =	ssyncset.done @!p0 $0x0  }
0x1cd: {  	[sflag:s0] =	ssyncadd.s32 @!p0 s1  }
0x1ce: {  	[bflag:$0x3] =	sbarrier.arrive $0xFFFF  }
0x1cf: {  	_ =	shalt  }

</sc_bundles>
